<compile_context>
chip_gen: v7x
topology: tpu7x:2x2x1
jax: 0.10.2.dev20260603
libtpu: 0.0.44.dev20260713+nightly
codegen_flags: <defaults>
</compile_context>

<pallas_src>
import jax
import jax.numpy as jnp
from jax import lax
from jax.experimental import pallas as pl
from jax.experimental.pallas import tpu as pltpu
from jax.experimental.pallas import tpu_sc as plsc

N_NODES = 10000
D_IN = 128
D_OUT = 128
N_EDGES = 160000
N_REL = 3

NC = 2
NS = 16
NW = NC * NS
B = 80
EPT = 5120
NB = EPT // B
E_PAD = NW * EPT
NPAD = 10240
STRIPE = NPAD // NS
CROWS = NPAD // 128


def _sc_segment_sums(x, zeros_hbm, src_all, dst_all):
    mesh = plsc.VectorSubcoreMesh(core_axis_name="c", subcore_axis_name="s")

    def body(x_hbm, z_hbm, src_hbm, dst_hbm, out_hbm, cnt_out_hbm,
             src_v, dst_v, rows0, rows1, cnt_v, id_v, accum, cnt_sp,
             sem0, sem1, semz, semd):
        c = lax.axis_index("c")
        s = lax.axis_index("s")
        w = c * NS + s
        row0 = s * STRIPE

        for k in range(CROWS // 16):
            id_v[pl.ds(k * 16, 16)] = (
                lax.iota(jnp.int32, 16) + jnp.int32(k * 16))

        def hist_batch(j):
            ones16 = jnp.ones((16,), jnp.float32)
            for kk in range(B // 16):
                d16 = dst_v[j, 0, pl.ds(kk * 16, 16)]
                plsc.addupdate_scatter(
                    cnt_v, [lax.shift_right_logical(d16, 7),
                            lax.bitwise_and(d16, 127)], ones16)

        for r in range(N_REL):
            base = r * NW + w
            pltpu.async_copy(src_hbm.at[pl.ds(base * EPT, EPT)], src_v,
                             sem0)
            pltpu.async_copy(dst_hbm.at[pl.ds(base * NB, NB)], dst_v, sem1)
            if r > 0:
                pltpu.make_async_copy(
                    accum.at[pl.ds(row0, STRIPE)],
                    out_hbm.at[pl.ds(((r - 1) * NC + c) * NPAD + row0,
                                     STRIPE)],
                    semd).wait()
            pltpu.async_copy(z_hbm, accum.at[pl.ds(row0, STRIPE)], semz)

            @pl.when(s == 0)
            def _():
                pltpu.sync_copy(z_hbm.at[pl.ds(0, CROWS)], cnt_sp)

            def zrow(i, carry):
                for kk in range(8):
                    cnt_v[i, pl.ds(kk * 16, 16)] = jnp.zeros((16,),
                                                             jnp.float32)
                return carry
            lax.fori_loop(0, CROWS, zrow, 0)

            pltpu.make_async_copy(src_hbm.at[pl.ds(base * EPT, EPT)],
                                  src_v, sem0).wait()
            pltpu.async_copy(x_hbm.at[src_v.at[pl.ds(0, B)]], rows0, sem0)
            pltpu.make_async_copy(dst_hbm.at[pl.ds(base * NB, NB)], dst_v,
                                  sem1).wait()
            pltpu.async_copy(x_hbm.at[src_v.at[pl.ds(B, B)]], rows1, sem1)
            pltpu.make_async_copy(z_hbm, accum.at[pl.ds(row0, STRIPE)],
                                  semz).wait()
            plsc.subcore_barrier()

            def pair(k, carry):
                j0 = 2 * k
                j1 = j0 + 1
                hist_batch(j0)
                pltpu.make_async_copy(
                    x_hbm.at[src_v.at[pl.ds(0, B)]], rows0, sem0).wait()
                pltpu.sync_copy(rows0, accum.at[dst_v.at[j0, 0]], add=True)

                @pl.when(j0 + 2 < NB)
                def _():
                    pltpu.async_copy(
                        x_hbm.at[src_v.at[pl.ds((j0 + 2) * B, B)]],
                        rows0, sem0)

                hist_batch(j1)
                pltpu.make_async_copy(
                    x_hbm.at[src_v.at[pl.ds(B, B)]], rows1, sem1).wait()
                pltpu.sync_copy(rows1, accum.at[dst_v.at[j1, 0]], add=True)

                @pl.when(j1 + 2 < NB)
                def _():
                    pltpu.async_copy(
                        x_hbm.at[src_v.at[pl.ds((j1 + 2) * B, B)]],
                        rows1, sem1)
                return carry

            lax.fori_loop(0, NB // 2, pair, 0)

            pltpu.sync_copy(cnt_v, cnt_sp.at[id_v], add=True)
            plsc.subcore_barrier()

            pltpu.async_copy(
                accum.at[pl.ds(row0, STRIPE)],
                out_hbm.at[pl.ds((r * NC + c) * NPAD + row0, STRIPE)],
                semd)

            @pl.when(s == 0)
            def _():
                pltpu.sync_copy(
                    cnt_sp,
                    cnt_out_hbm.at[pl.ds((r * NC + c) * CROWS, CROWS)])

        pltpu.make_async_copy(
            accum.at[pl.ds(row0, STRIPE)],
            out_hbm.at[pl.ds(((N_REL - 1) * NC + c) * NPAD + row0, STRIPE)],
            semd).wait()

    run = pl.kernel(
        body,
        out_type=(
            jax.ShapeDtypeStruct((N_REL * NC * NPAD, D_IN), jnp.float32),
            jax.ShapeDtypeStruct((N_REL * NC * CROWS, 128), jnp.float32),
        ),
        mesh=mesh,
        compiler_params=pltpu.CompilerParams(needs_layout_passes=False),
        scratch_types=[
            pltpu.VMEM((EPT,), jnp.int32),
            pltpu.VMEM((NB, 1, B), jnp.int32),
            pltpu.VMEM((B, D_IN), jnp.float32),
            pltpu.VMEM((B, D_IN), jnp.float32),
            pltpu.VMEM((CROWS, 128), jnp.float32),
            pltpu.VMEM((CROWS,), jnp.int32),
            pltpu.VMEM_SHARED((NPAD, D_IN), jnp.float32),
            pltpu.VMEM_SHARED((CROWS, 128), jnp.float32),
            pltpu.SemaphoreType.DMA,
            pltpu.SemaphoreType.DMA,
            pltpu.SemaphoreType.DMA,
            pltpu.SemaphoreType.DMA,
        ],
    )
    return run(x, zeros_hbm, src_all, dst_all)


BN = 2048
CBN = BN // 128


def _tc_combine_body(s_ref, c_ref, w_ref, b_ref, o_ref):
    ri = lax.broadcasted_iota(jnp.int32, (BN, CBN), 0) // 128
    ci = lax.broadcasted_iota(jnp.int32, (BN, CBN), 1)
    m1 = (ri == ci).astype(jnp.float32)
    li = lax.broadcasted_iota(jnp.int32, (BN, 128), 0) % 128
    lj = lax.broadcasted_iota(jnp.int32, (BN, 128), 1)
    lane_mask = (li == lj).astype(jnp.float32)
    ones_col = jnp.ones((128, 1), jnp.float32)

    acc = jnp.zeros((BN, D_OUT), jnp.float32)
    for r in range(N_REL):
        feat = s_ref[r, 0] + s_ref[r, 1]
        sel = jnp.dot(m1, c_ref[r],
                      preferred_element_type=jnp.float32)
        cnt = jnp.dot(sel * lane_mask, ones_col,
                      preferred_element_type=jnp.float32)
        denom = jnp.maximum(cnt, 1.0)
        m = jnp.dot(feat, w_ref[r],
                    preferred_element_type=jnp.float32) / denom
        m = m + jnp.where(cnt > 0.0, b_ref[r], 0.0)
        acc = acc + m
    o_ref[...] = acc


def _tc_combine(s4, c3, ws, bs):
    return pl.pallas_call(
        _tc_combine_body,
        grid=(NPAD // BN,),
        in_specs=[
            pl.BlockSpec((N_REL, NC, BN, D_IN), lambda i: (0, 0, i, 0)),
            pl.BlockSpec((N_REL, CBN, 128), lambda i: (0, i, 0)),
            pl.BlockSpec((N_REL, D_IN, D_OUT), lambda i: (0, 0, 0)),
            pl.BlockSpec((N_REL, 1, D_OUT), lambda i: (0, 0, 0)),
        ],
        out_specs=pl.BlockSpec((BN, D_OUT), lambda i: (i, 0)),
        out_shape=jax.ShapeDtypeStruct((NPAD, D_OUT), jnp.float32),
    )(s4, c3, ws, bs)


def kernel(x, W0, b0, W1, b1, W2, b2, edge_index0, edge_index1, edge_index2):
    zeros_hbm = jnp.zeros((STRIPE, D_IN), jnp.float32)

    npad = E_PAD - N_EDGES
    pad_src = jnp.arange(npad, dtype=jnp.int32) % N_NODES
    pad_dst = N_NODES + (jnp.arange(npad, dtype=jnp.int32) % (NPAD - N_NODES))
    eis = (edge_index0, edge_index1, edge_index2)
    src_all = jnp.concatenate(
        [a for ei in eis for a in (ei[0], pad_src)])
    dst_all = jnp.concatenate(
        [a for ei in eis for a in (ei[1], pad_dst)]
    ).reshape(N_REL * NW * NB, 1, B)

    s, cnt = _sc_segment_sums(x, zeros_hbm, src_all, dst_all)
    s4 = s.reshape(N_REL, NC, NPAD, D_IN)
    cr = cnt.reshape(N_REL, NC, CROWS, 128)
    c3 = cr[:, 0] + cr[:, 1]

    ws = jnp.stack([W0, W1, W2])
    bs = jnp.stack([b0, b1, b2]).reshape(N_REL, 1, D_OUT)
    return _tc_combine(s4, c3, ws, bs)[:N_NODES]

# --- scband reference (transcript-rebuilt; emitter-appended) ---
"""Pipeline reference for scband-heter-rgcnlayer-13013750907176 (READ-ONLY COPY).

The authoritative reference and input builder live on the scoring server;
editing this copy changes nothing except your own understanding.
"""

import jax, jax.numpy as jnp
import numpy as np

N = 10000
D_IN = 128
D_OUT = 128
E = 160000
N_REL = 3


def setup_inputs(seed: int = 0) -> dict:
    key = jax.random.key(seed)
    ks = jax.random.split(key, 12)
    x = jax.random.normal(ks[0], (N, D_IN), dtype=jnp.float32)
    edge_index0 = jax.random.randint(ks[1], (2, E), 0, N, dtype=jnp.int32)
    edge_index1 = jax.random.randint(ks[2], (2, E), 0, N, dtype=jnp.int32)
    edge_index2 = jax.random.randint(ks[3], (2, E), 0, N, dtype=jnp.int32)
    scale = 1.0 / np.sqrt(D_IN)
    W0 = jax.random.normal(ks[4], (D_IN, D_OUT), dtype=jnp.float32) * scale
    b0 = jnp.zeros((D_OUT,), dtype=jnp.float32)
    W1 = jax.random.normal(ks[5], (D_IN, D_OUT), dtype=jnp.float32) * scale
    b1 = jnp.zeros((D_OUT,), dtype=jnp.float32)
    W2 = jax.random.normal(ks[6], (D_IN, D_OUT), dtype=jnp.float32) * scale
    b2 = jnp.zeros((D_OUT,), dtype=jnp.float32)
    return {"x": x, "W0": W0, "b0": b0, "W1": W1, "b1": b1, "W2": W2, "b2": b2,
            "edge_index0": edge_index0, "edge_index1": edge_index1, "edge_index2": edge_index2}


def reference(x, W0, b0, W1, b1, W2, b2, edge_index0, edge_index1, edge_index2):
    # HeterRGCNLayer: per canonical etype, Wh = Linear_etype(h[src]);
    # messages = copy_u(Wh); per-relation reduce = mean over incoming edges;
    # cross-relation aggregate = sum (multi_update_all with 'sum').
    out = jnp.zeros((N, D_OUT), dtype=x.dtype)
    for W, b, ei in ((W0, b0, edge_index0), (W1, b1, edge_index1), (W2, b2, edge_index2)):
        Wh = x @ W + b  # per-etype linear transform of source features
        src = ei[0]
        dst = ei[1]
        msg = jnp.take(Wh, src, axis=0)  # copy_u gather
        summed = jax.ops.segment_sum(msg, dst, num_segments=N)
        cnt = jax.ops.segment_sum(jnp.ones((msg.shape[0],), dtype=x.dtype), dst, num_segments=N)
        mean = summed / jnp.maximum(cnt, 1.0)[:, None]  # fn.mean over in-edges
        out = out + mean  # cross-type 'sum' reducer
    return out

if __name__ == "__main__":
    import jax
    _d = setup_inputs()
    print(jax.jit(kernel)(*tuple(_d.values())))

</pallas_src>

<mosaic_0001>
#map = affine_map<(d0, d1) -> (0, 0)>
#map1 = affine_map<(d0, d1) -> (0)>
#map2 = affine_map<(d0, d1) -> (0, 0, 0)>
module attributes {stable_mosaic.version = 14 : i64} {
  func.func @body(%arg0: i32, %arg1: i32, %arg2: memref<10000x128xf32, #tpu.memory_space<hbm>>, %arg3: memref<640x128xf32, #tpu.memory_space<hbm>>, %arg4: memref<491520xi32, #tpu.memory_space<hbm>>, %arg5: memref<6144x1x80xi32, #tpu.memory_space<hbm>>, %arg6: memref<61440x128xf32, #tpu.memory_space<hbm>>, %arg7: memref<480x128xf32, #tpu.memory_space<hbm>>, %arg8: memref<5120xi32, #tpu.memory_space<vmem>>, %arg9: memref<64x1x80xi32, #tpu.memory_space<vmem>>, %arg10: memref<80x128xf32, #tpu.memory_space<vmem>>, %arg11: memref<80x128xf32, #tpu.memory_space<vmem>>, %arg12: memref<80x128xf32, #tpu.memory_space<vmem>>, %arg13: memref<80xi32, #tpu.memory_space<vmem>>, %arg14: memref<10240x128xf32, #tpu.memory_space<vmem_shared>>, %arg15: memref<80x128xf32, #tpu.memory_space<vmem_shared>>, %arg16: memref<!tpu.dma_semaphore, #tpu.memory_space<semaphore_mem>>, %arg17: memref<!tpu.dma_semaphore, #tpu.memory_space<semaphore_mem>>, %arg18: memref<!tpu.dma_semaphore, #tpu.memory_space<semaphore_mem>>, %arg19: memref<!tpu.dma_semaphore, #tpu.memory_space<semaphore_mem>>) attributes {dimension_semantics = [#tpu.dimension_semantics<core_parallel>, #tpu.dimension_semantics<subcore_parallel>], iteration_bounds = array<i64: 2, 16>, scalar_prefetch = 0 : i64, scratch_operands = 12 : i64, tpu.core_type = #tpu.core_type<sc_vector_subcore>, window_params = [{transform_indices = #map}, {transform_indices = #map}, {transform_indices = #map1}, {transform_indices = #map2}, {transform_indices = #map}, {transform_indices = #map}]} {
    %mul3A = arith.constant 16 : i32
    %mul3A_0 = arith.muli %arg0, %mul3A : i32
    %add3A = arith.addi %mul3A_0, %arg1 : i32
    %mul3A_1 = arith.constant 640 : i32
    %mul3A_2 = arith.muli %arg1, %mul3A_1 : i32
    %iota3A = tpu.iota {dimensions = array<i32: 0>} : vector<16xi32>
    %add3A_3 = arith.constant 0 : i32
    %add3A_4 = vector.broadcast %add3A_3 : i32 to vector<16xi32>
    %add3A_5 = arith.addi %iota3A, %add3A_4 : vector<16xi32>
    %swap3A = arith.constant 0 : index
    %swap3A_6 = tpu.vector_load %arg13[%swap3A] {strides = array<i32>} : memref<80xi32, #tpu.memory_space<vmem>>, vector<16xi32>,
    tpu.vector_store %arg13[%swap3A], %add3A_5 {strides = array<i32>} : memref<80xi32, #tpu.memory_space<vmem>>, vector<16xi32>,
    %iota3A_7 = tpu.iota {dimensions = array<i32: 0>} : vector<16xi32>
    %add3A_8 = arith.constant 16 : i32
    %add3A_9 = vector.broadcast %add3A_8 : i32 to vector<16xi32>
    %add3A_10 = arith.addi %iota3A_7, %add3A_9 : vector<16xi32>
    %swap3A_11 = arith.constant 16 : index
    %swap3A_12 = tpu.vector_load %arg13[%swap3A_11] {strides = array<i32>} : memref<80xi32, #tpu.memory_space<vmem>>, vector<16xi32>,
    tpu.vector_store %arg13[%swap3A_11], %add3A_10 {strides = array<i32>} : memref<80xi32, #tpu.memory_space<vmem>>, vector<16xi32>,
    %iota3A_13 = tpu.iota {dimensions = array<i32: 0>} : vector<16xi32>
    %add3A_14 = arith.constant 32 : i32
    %add3A_15 = vector.broadcast %add3A_14 : i32 to vector<16xi32>
    %add3A_16 = arith.addi %iota3A_13, %add3A_15 : vector<16xi32>
    %swap3A_17 = arith.constant 32 : index
    %swap3A_18 = tpu.vector_load %arg13[%swap3A_17] {strides = array<i32>} : memref<80xi32, #tpu.memory_space<vmem>>, vector<16xi32>,
    tpu.vector_store %arg13[%swap3A_17], %add3A_16 {strides = array<i32>} : memref<80xi32, #tpu.memory_space<vmem>>, vector<16xi32>,
    %iota3A_19 = tpu.iota {dimensions = array<i32: 0>} : vector<16xi32>
    %add3A_20 = arith.constant 48 : i32
    %add3A_21 = vector.broadcast %add3A_20 : i32 to vector<16xi32>
    %add3A_22 = arith.addi %iota3A_19, %add3A_21 : vector<16xi32>
    %swap3A_23 = arith.constant 48 : index
    %swap3A_24 = tpu.vector_load %arg13[%swap3A_23] {strides = array<i32>} : memref<80xi32, #tpu.memory_space<vmem>>, vector<16xi32>,
    tpu.vector_store %arg13[%swap3A_23], %add3A_22 {strides = array<i32>} : memref<80xi32, #tpu.memory_space<vmem>>, vector<16xi32>,
    %iota3A_25 = tpu.iota {dimensions = array<i32: 0>} : vector<16xi32>
    %add3A_26 = arith.constant 64 : i32
    %add3A_27 = vector.broadcast %add3A_26 : i32 to vector<16xi32>
    %add3A_28 = arith.addi %iota3A_25, %add3A_27 : vector<16xi32>
    %swap3A_29 = arith.constant 64 : index
    %swap3A_30 = tpu.vector_load %arg13[%swap3A_29] {strides = array<i32>} : memref<80xi32, #tpu.memory_space<vmem>>, vector<16xi32>,
    tpu.vector_store %arg13[%swap3A_29], %add3A_28 {strides = array<i32>} : memref<80xi32, #tpu.memory_space<vmem>>, vector<16xi32>,
    %add3A_31 = arith.constant 0 : i32
    %add3A_32 = arith.addi %add3A_31, %add3A : i32
    %mul3A_33 = arith.constant 5120 : i32
    %mul3A_34 = arith.muli %add3A_32, %mul3A_33 : i32
    %dma_start3A = tpu.memref_slice %arg4[%mul3A_34] : memref<491520xi32, #tpu.memory_space<hbm>> -> memref<5120xi32, #tpu.memory_space<hbm>>
    %dma_start3A_35 = tpu.memref_slice %arg4[%mul3A_34] : memref<491520xi32, #tpu.memory_space<hbm>> -> memref<5120xi32, #tpu.memory_space<hbm>>
    tpu.enqueue_dma source(%dma_start3A_35 : memref<5120xi32, #tpu.memory_space<hbm>>) target(%arg8 : memref<5120xi32, #tpu.memory_space<vmem>>) target_semaphore(%arg16 : memref<!tpu.dma_semaphore, #tpu.memory_space<semaphore_mem>>)
    %mul3A_36 = arith.constant 64 : i32
    %mul3A_37 = arith.muli %add3A_32, %mul3A_36 : i32
    %dma_start3A_38 = arith.constant 0 : i32
    %dma_start3A_39 = arith.constant 0 : i32
    %dma_start3A_40 = tpu.memref_slice %arg5[%mul3A_37, %dma_start3A_38, %dma_start3A_39] : memref<6144x1x80xi32, #tpu.memory_space<hbm>> -> memref<64x1x80xi32, #tpu.memory_space<hbm>>
    %dma_start3A_41 = arith.constant 0 : i32
    %dma_start3A_42 = arith.constant 0 : i32
    %dma_start3A_43 = tpu.memref_slice %arg5[%mul3A_37, %dma_start3A_41, %dma_start3A_42] : memref<6144x1x80xi32, #tpu.memory_space<hbm>> -> memref<64x1x80xi32, #tpu.memory_space<hbm>>
    tpu.enqueue_dma source(%dma_start3A_43 : memref<64x1x80xi32, #tpu.memory_space<hbm>>) target(%arg9 : memref<64x1x80xi32, #tpu.memory_space<vmem>>) target_semaphore(%arg17 : memref<!tpu.dma_semaphore, #tpu.memory_space<semaphore_mem>>)
    %dma_start3A_44 = arith.constant 0 : i32
    %dma_start3A_45 = tpu.memref_slice %arg14[%mul3A_2, %dma_start3A_44] : memref<10240x128xf32, #tpu.memory_space<vmem_shared>> -> memref<640x128xf32, #tpu.memory_space<vmem_shared>>
    tpu.enqueue_dma source(%arg3 : memref<640x128xf32, #tpu.memory_space<hbm>>) target(%dma_start3A_45 : memref<640x128xf32, #tpu.memory_space<vmem_shared>>) target_semaphore(%arg18 : memref<!tpu.dma_semaphore, #tpu.memory_space<semaphore_mem>>)
    %eq3A = arith.constant 0 : i32
    %eq3A_46 = arith.cmpi eq, %arg1, %eq3A : i32
    %convert_element_type3A = arith.extui %eq3A_46 : i1 to i32
    %cond3A = arith.constant 0 : i32
    %cond3A_47 = arith.cmpi ne, %convert_element_type3A, %cond3A : i32
    scf.if %cond3A_47 {
      "tpu.region"() ({
        %run_scoped3A = tpu.sem_alloc : memref<!tpu.dma_semaphore, #tpu.memory_space<semaphore_mem>>
        %dma_start3A_270 = arith.constant 0 : i32
        %dma_start3A_271 = arith.constant 0 : i32
        %dma_start3A_272 = tpu.memref_slice %arg3[%dma_start3A_270, %dma_start3A_271] : memref<640x128xf32, #tpu.memory_space<hbm>> -> memref<80x128xf32, #tpu.memory_space<hbm>>
        tpu.enqueue_dma source(%dma_start3A_272 : memref<80x128xf32, #tpu.memory_space<hbm>>) target(%arg15 : memref<80x128xf32, #tpu.memory_space<vmem_shared>>) target_semaphore(%run_scoped3A : memref<!tpu.dma_semaphore, #tpu.memory_space<semaphore_mem>>)
        %dma_wait3A_273 = arith.constant 0 : i32
        %dma_wait3A_274 = arith.constant 0 : i32
        %dma_wait3A_275 = tpu.memref_slice %arg3[%dma_wait3A_273, %dma_wait3A_274] : memref<640x128xf32, #tpu.memory_space<hbm>> -> memref<80x128xf32, #tpu.memory_space<hbm>>
        tpu.wait_dma2 semaphore(%run_scoped3A : memref<!tpu.dma_semaphore, #tpu.memory_space<semaphore_mem>>) src(%dma_wait3A_275 : memref<80x128xf32, #tpu.memory_space<hbm>>) dst(%arg15 : memref<80x128xf32, #tpu.memory_space<vmem_shared>>)
        tpu.yield
      }) : () -> ()
    } else {
    }
    %scan3A = arith.constant 0 : i32
    %scan3A_48 = arith.constant 0 : i32
    %scan3A_49 = arith.constant 80 : i32
    %scan3A_50 = arith.addi %scan3A_48, %scan3A_49 : i32
    %scan3A_51 = arith.constant 1 : i32
    scf.for %scan3A_270 = %scan3A_48 to %scan3A_50 step %scan3A_51  : i32 {
      %broadcast_in_dim3A = arith.constant 0.000000e+00 : f32
      %broadcast_in_dim3A_271 = vector.broadcast %broadcast_in_dim3A : f32 to vector<16xf32>
      %swap3A_272 = arith.index_cast %scan3A_270 : i32 to index
      %swap3A_273 = arith.constant 0 : index
      %swap3A_274 = tpu.vector_load %arg12[%swap3A_272, %swap3A_273] {strides = array<i32>} : memref<80x128xf32, #tpu.memory_space<vmem>>, vector<16xf32>,
      tpu.vector_store %arg12[%swap3A_272, %swap3A_273], %broadcast_in_dim3A_271 {strides = array<i32>} : memref<80x128xf32, #tpu.memory_space<vmem>>, vector<16xf32>,
      %broadcast_in_dim3A_275 = arith.constant 0.000000e+00 : f32
      %broadcast_in_dim3A_276 = vector.broadcast %broadcast_in_dim3A_275 : f32 to vector<16xf32>
      %swap3A_277 = arith.index_cast %scan3A_270 : i32 to index
      %swap3A_278 = arith.constant 16 : index
      %swap3A_279 = tpu.vector_load %arg12[%swap3A_277, %swap3A_278] {strides = array<i32>} : memref<80x128xf32, #tpu.memory_space<vmem>>, vector<16xf32>,
      tpu.vector_store %arg12[%swap3A_277, %swap3A_278], %broadcast_in_dim3A_276 {strides = array<i32>} : memref<80x128xf32, #tpu.memory_space<vmem>>, vector<16xf32>,
      %broadcast_in_dim3A_280 = arith.constant 0.000000e+00 : f32
      %broadcast_in_dim3A_281 = vector.broadcast %broadcast_in_dim3A_280 : f32 to vector<16xf32>
      %swap3A_282 = arith.index_cast %scan3A_270 : i32 to index
      %swap3A_283 = arith.constant 32 : index
      %swap3A_284 = tpu.vector_load %arg12[%swap3A_282, %swap3A_283] {strides = array<i32>} : memref<80x128xf32, #tpu.memory_space<vmem>>, vector<16xf32>,
      tpu.vector_store %arg12[%swap3A_282, %swap3A_283], %broadcast_in_dim3A_281 {strides = array<i32>} : memref<80x128xf32, #tpu.memory_space<vmem>>, vector<16xf32>,
      %broadcast_in_dim3A_285 = arith.constant 0.000000e+00 : f32
      %broadcast_in_dim3A_286 = vector.broadcast %broadcast_in_dim3A_285 : f32 to vector<16xf32>
      %swap3A_287 = arith.index_cast %scan3A_270 : i32 to index
      %swap3A_288 = arith.constant 48 : index
      %swap3A_289 = tpu.vector_load %arg12[%swap3A_287, %swap3A_288] {strides = array<i32>} : memref<80x128xf32, #tpu.memory_space<vmem>>, vector<16xf32>,
      tpu.vector_store %arg12[%swap3A_287, %swap3A_288], %broadcast_in_dim3A_286 {strides = array<i32>} : memref<80x128xf32, #tpu.memory_space<vmem>>, vector<16xf32>,
      %broadcast_in_dim3A_290 = arith.constant 0.000000e+00 : f32
      %broadcast_in_dim3A_291 = vector.broadcast %broadcast_in_dim3A_290 : f32 to vector<16xf32>
      %swap3A_292 = arith.index_cast %scan3A_270 : i32 to index
      %swap3A_293 = arith.constant 64 : index
      %swap3A_294 = tpu.vector_load %arg12[%swap3A_292, %swap3A_293] {strides = array<i32>} : memref<80x128xf32, #tpu.memory_space<vmem>>, vector<16xf32>,
      tpu.vector_store %arg12[%swap3A_292, %swap3A_293], %broadcast_in_dim3A_291 {strides = array<i32>} : memref<80x128xf32, #tpu.memory_space<vmem>>, vector<16xf32>,
      %broadcast_in_dim3A_295 = arith.constant 0.000000e+00 : f32
      %broadcast_in_dim3A_296 = vector.broadcast %broadcast_in_dim3A_295 : f32 to vector<16xf32>
      %swap3A_297 = arith.index_cast %scan3A_270 : i32 to index
      %swap3A_298 = arith.constant 80 : index
      %swap3A_299 = tpu.vector_load %arg12[%swap3A_297, %swap3A_298] {strides = array<i32>} : memref<80x128xf32, #tpu.memory_space<vmem>>, vector<16xf32>,
      tpu.vector_store %arg12[%swap3A_297, %swap3A_298], %broadcast_in_dim3A_296 {strides = array<i32>} : memref<80x128xf32, #tpu.memory_space<vmem>>, vector<16xf32>,
      %broadcast_in_dim3A_300 = arith.constant 0.000000e+00 : f32
      %broadcast_in_dim3A_301 = vector.broadcast %broadcast_in_dim3A_300 : f32 to vector<16xf32>
      %swap3A_302 = arith.index_cast %scan3A_270 : i32 to index
      %swap3A_303 = arith.constant 96 : index
      %swap3A_304 = tpu.vector_load %arg12[%swap3A_302, %swap3A_303] {strides = array<i32>} : memref<80x128xf32, #tpu.memory_space<vmem>>, vector<16xf32>,
      tpu.vector_store %arg12[%swap3A_302, %swap3A_303], %broadcast_in_dim3A_301 {strides = array<i32>} : memref<80x128xf32, #tpu.memory_space<vmem>>, vector<16xf32>,
      %broadcast_in_dim3A_305 = arith.constant 0.000000e+00 : f32
      %broadcast_in_dim3A_306 = vector.broadcast %broadcast_in_dim3A_305 : f32 to vector<16xf32>
      %swap3A_307 = arith.index_cast %scan3A_270 : i32 to index
      %swap3A_308 = arith.constant 112 : index
      %swap3A_309 = tpu.vector_load %arg12[%swap3A_307, %swap3A_308] {strides = array<i32>} : memref<80x128xf32, #tpu.memory_space<vmem>>, vector<16xf32>,
      tpu.vector_store %arg12[%swap3A_307, %swap3A_308], %broadcast_in_dim3A_306 {strides = array<i32>} : memref<80x128xf32, #tpu.memory_space<vmem>>, vector<16xf32>,
    }
    %scan3A_52 = arith.constant 80 : i32
    %mul3A_53 = arith.constant 5120 : i32
    %mul3A_54 = arith.muli %add3A_32, %mul3A_53 : i32
    %dma_wait3A = tpu.memref_slice %arg4[%mul3A_54] : memref<491520xi32, #tpu.memory_space<hbm>> -> memref<5120xi32, #tpu.memory_space<hbm>>
    %dma_wait3A_55 = tpu.memref_slice %arg4[%mul3A_54] : memref<491520xi32, #tpu.memory_space<hbm>> -> memref<5120xi32, #tpu.memory_space<hbm>>
    tpu.wait_dma2 semaphore(%arg16 : memref<!tpu.dma_semaphore, #tpu.memory_space<semaphore_mem>>) src(%dma_wait3A_55 : memref<5120xi32, #tpu.memory_space<hbm>>) dst(%arg8 : memref<5120xi32, #tpu.memory_space<vmem>>)
    %dma_start3A_56 = arith.constant 0 : i32
    %dma_start3A_57 = tpu.memref_slice %arg8[%dma_start3A_56] : memref<5120xi32, #tpu.memory_space<vmem>> -> memref<80xi32, #tpu.memory_space<vmem>>
    %dma_start3A_58 = arith.constant 0 : i32
    %dma_start3A_59 = arith.constant 0 : i32
    %dma_start3A_60 = tpu.memref_slice %arg2[%dma_start3A_58, %dma_start3A_59] : memref<10000x128xf32, #tpu.memory_space<hbm>> -> memref<10000x128xf32, #tpu.memory_space<hbm>>
    tpu.enqueue_indirect_dma source(%dma_start3A_60 : memref<10000x128xf32, #tpu.memory_space<hbm>>) target(%arg10 : memref<80x128xf32, #tpu.memory_space<vmem>>) offsets(%dma_start3A_57 : memref<80xi32, #tpu.memory_space<vmem>>) semaphore(%arg16 : memref<!tpu.dma_semaphore, #tpu.memory_space<semaphore_mem>>)
    %mul3A_61 = arith.constant 64 : i32
    %mul3A_62 = arith.muli %add3A_32, %mul3A_61 : i32
    %dma_wait3A_63 = arith.constant 0 : i32
    %dma_wait3A_64 = arith.constant 0 : i32
    %dma_wait3A_65 = tpu.memref_slice %arg5[%mul3A_62, %dma_wait3A_63, %dma_wait3A_64] : memref<6144x1x80xi32, #tpu.memory_space<hbm>> -> memref<64x1x80xi32, #tpu.memory_space<hbm>>
    %dma_wait3A_66 = arith.constant 0 : i32
    %dma_wait3A_67 = arith.constant 0 : i32
    %dma_wait3A_68 = tpu.memref_slice %arg5[%mul3A_62, %dma_wait3A_66, %dma_wait3A_67] : memref<6144x1x80xi32, #tpu.memory_space<hbm>> -> memref<64x1x80xi32, #tpu.memory_space<hbm>>
    tpu.wait_dma2 semaphore(%arg17 : memref<!tpu.dma_semaphore, #tpu.memory_space<semaphore_mem>>) src(%dma_wait3A_68 : memref<64x1x80xi32, #tpu.memory_space<hbm>>) dst(%arg9 : memref<64x1x80xi32, #tpu.memory_space<vmem>>)
    %dma_start3A_69 = arith.constant 80 : i32
    %dma_start3A_70 = tpu.memref_slice %arg8[%dma_start3A_69] : memref<5120xi32, #tpu.memory_space<vmem>> -> memref<80xi32, #tpu.memory_space<vmem>>
    %dma_start3A_71 = arith.constant 0 : i32
    %dma_start3A_72 = arith.constant 0 : i32
    %dma_start3A_73 = tpu.memref_slice %arg2[%dma_start3A_71, %dma_start3A_72] : memref<10000x128xf32, #tpu.memory_space<hbm>> -> memref<10000x128xf32, #tpu.memory_space<hbm>>
    tpu.enqueue_indirect_dma source(%dma_start3A_73 : memref<10000x128xf32, #tpu.memory_space<hbm>>) target(%arg11 : memref<80x128xf32, #tpu.memory_space<vmem>>) offsets(%dma_start3A_70 : memref<80xi32, #tpu.memory_space<vmem>>) semaphore(%arg17 : memref<!tpu.dma_semaphore, #tpu.memory_space<semaphore_mem>>)
    %dma_wait3A_74 = arith.constant 0 : i32
    %dma_wait3A_75 = tpu.memref_slice %arg14[%mul3A_2, %dma_wait3A_74] : memref<10240x128xf32, #tpu.memory_space<vmem_shared>> -> memref<640x128xf32, #tpu.memory_space<vmem_shared>>
    tpu.wait_dma2 semaphore(%arg18 : memref<!tpu.dma_semaphore, #tpu.memory_space<semaphore_mem>>) src(%arg3 : memref<640x128xf32, #tpu.memory_space<hbm>>) dst(%dma_wait3A_75 : memref<640x128xf32, #tpu.memory_space<vmem_shared>>)
    %barrier3A = arith.constant 0 : index
    tpu.barrier barrier_id(%barrier3A)
    %scan3A_76 = arith.constant 0 : i32
    %scan3A_77 = arith.constant 0 : i32
    %scan3A_78 = arith.constant 32 : i32
    %scan3A_79 = arith.addi %scan3A_77, %scan3A_78 : i32
    %scan3A_80 = arith.constant 1 : i32
    scf.for %scan3A_270 = %scan3A_77 to %scan3A_79 step %scan3A_80  : i32 {
      %mul3A_271 = arith.constant 2 : i32
      %mul3A_272 = arith.muli %mul3A_271, %scan3A_270 : i32
      %add3A_273 = arith.constant 1 : i32
      %add3A_274 = arith.addi %mul3A_272, %add3A_273 : i32
      %broadcast_in_dim3A = arith.constant 1.000000e+00 : f32
      %broadcast_in_dim3A_275 = vector.broadcast %broadcast_in_dim3A : f32 to vector<16xf32>
      %get3A = arith.constant 0 : i32
      %get3A_276 = arith.index_cast %mul3A_272 : i32 to index
      %get3A_277 = arith.index_cast %get3A : i32 to index
      %get3A_278 = arith.constant 0 : index
      %get3A_279 = tpu.vector_load %arg9[%get3A_276, %get3A_277, %get3A_278] {strides = array<i32>} : memref<64x1x80xi32, #tpu.memory_space<vmem>>, vector<16xi32>,
      %shift_right_logical3A = arith.constant 7 : i32
      %shift_right_logical3A_280 = vector.broadcast %shift_right_logical3A : i32 to vector<16xi32>
      %shift_right_logical3A_281 = arith.shrui %get3A_279, %shift_right_logical3A_280 : vector<16xi32>
      %and3A = arith.constant 127 : i32
      %and3A_282 = vector.broadcast %and3A : i32 to vector<16xi32>
      %and3A_283 = arith.andi %get3A_279, %and3A_282 : vector<16xi32>
      tpu.vector_store_idx %arg12[%shift_right_logical3A_281, %and3A_283], %broadcast_in_dim3A_275 {add = true} : memref<80x128xf32, #tpu.memory_space<vmem>>[vector<16xi32>, vector<16xi32>], vector<16xf32>,
      %get3A_284 = arith.constant 0 : i32
      %get3A_285 = arith.index_cast %mul3A_272 : i32 to index
      %get3A_286 = arith.index_cast %get3A_284 : i32 to index
      %get3A_287 = arith.constant 16 : index
      %get3A_288 = tpu.vector_load %arg9[%get3A_285, %get3A_286, %get3A_287] {strides = array<i32>} : memref<64x1x80xi32, #tpu.memory_space<vmem>>, vector<16xi32>,
      %shift_right_logical3A_289 = arith.constant 7 : i32
      %shift_right_logical3A_290 = vector.broadcast %shift_right_logical3A_289 : i32 to vector<16xi32>
      %shift_right_logical3A_291 = arith.shrui %get3A_288, %shift_right_logical3A_290 : vector<16xi32>
      %and3A_292 = arith.constant 127 : i32
      %and3A_293 = vector.broadcast %and3A_292 : i32 to vector<16xi32>
      %and3A_294 = arith.andi %get3A_288, %and3A_293 : vector<16xi32>
      tpu.vector_store_idx %arg12[%shift_right_logical3A_291, %and3A_294], %broadcast_in_dim3A_275 {add = true} : memref<80x128xf32, #tpu.memory_space<vmem>>[vector<16xi32>, vector<16xi32>], vector<16xf32>,
      %get3A_295 = arith.constant 0 : i32
      %get3A_296 = arith.index_cast %mul3A_272 : i32 to index
      %get3A_297 = arith.index_cast %get3A_295 : i32 to index
      %get3A_298 = arith.constant 32 : index
      %get3A_299 = tpu.vector_load %arg9[%get3A_296, %get3A_297, %get3A_298] {strides = array<i32>} : memref<64x1x80xi32, #tpu.memory_space<vmem>>, vector<16xi32>,
      %shift_right_logical3A_300 = arith.constant 7 : i32
      %shift_right_logical3A_301 = vector.broadcast %shift_right_logical3A_300 : i32 to vector<16xi32>
      %shift_right_logical3A_302 = arith.shrui %get3A_299, %shift_right_logical3A_301 : vector<16xi32>
      %and3A_303 = arith.constant 127 : i32
      %and3A_304 = vector.broadcast %and3A_303 : i32 to vector<16xi32>
      %and3A_305 = arith.andi %get3A_299, %and3A_304 : vector<16xi32>
      tpu.vector_store_idx %arg12[%shift_right_logical3A_302, %and3A_305], %broadcast_in_dim3A_275 {add = true} : memref<80x128xf32, #tpu.memory_space<vmem>>[vector<16xi32>, vector<16xi32>], vector<16xf32>,
      %get3A_306 = arith.constant 0 : i32
      %get3A_307 = arith.index_cast %mul3A_272 : i32 to index
      %get3A_308 = arith.index_cast %get3A_306 : i32 to index
      %get3A_309 = arith.constant 48 : index
      %get3A_310 = tpu.vector_load %arg9[%get3A_307, %get3A_308, %get3A_309] {strides = array<i32>} : memref<64x1x80xi32, #tpu.memory_space<vmem>>, vector<16xi32>,
      %shift_right_logical3A_311 = arith.constant 7 : i32
      %shift_right_logical3A_312 = vector.broadcast %shift_right_logical3A_311 : i32 to vector<16xi32>
      %shift_right_logical3A_313 = arith.shrui %get3A_310, %shift_right_logical3A_312 : vector<16xi32>
      %and3A_314 = arith.constant 127 : i32
      %and3A_315 = vector.broadcast %and3A_314 : i32 to vector<16xi32>
      %and3A_316 = arith.andi %get3A_310, %and3A_315 : vector<16xi32>
      tpu.vector_store_idx %arg12[%shift_right_logical3A_313, %and3A_316], %broadcast_in_dim3A_275 {add = true} : memref<80x128xf32, #tpu.memory_space<vmem>>[vector<16xi32>, vector<16xi32>], vector<16xf32>,
      %get3A_317 = arith.constant 0 : i32
      %get3A_318 = arith.index_cast %mul3A_272 : i32 to index
      %get3A_319 = arith.index_cast %get3A_317 : i32 to index
      %get3A_320 = arith.constant 64 : index
      %get3A_321 = tpu.vector_load %arg9[%get3A_318, %get3A_319, %get3A_320] {strides = array<i32>} : memref<64x1x80xi32, #tpu.memory_space<vmem>>, vector<16xi32>,
      %shift_right_logical3A_322 = arith.constant 7 : i32
      %shift_right_logical3A_323 = vector.broadcast %shift_right_logical3A_322 : i32 to vector<16xi32>
      %shift_right_logical3A_324 = arith.shrui %get3A_321, %shift_right_logical3A_323 : vector<16xi32>
      %and3A_325 = arith.constant 127 : i32
      %and3A_326 = vector.broadcast %and3A_325 : i32 to vector<16xi32>
      %and3A_327 = arith.andi %get3A_321, %and3A_326 : vector<16xi32>
      tpu.vector_store_idx %arg12[%shift_right_logical3A_324, %and3A_327], %broadcast_in_dim3A_275 {add = true} : memref<80x128xf32, #tpu.memory_space<vmem>>[vector<16xi32>, vector<16xi32>], vector<16xf32>,
      %dma_wait3A_328 = arith.constant 0 : i32
      %dma_wait3A_329 = tpu.memref_slice %arg8[%dma_wait3A_328] : memref<5120xi32, #tpu.memory_space<vmem>> -> memref<80xi32, #tpu.memory_space<vmem>>
      %dma_wait3A_330 = arith.constant 0 : i32
      %dma_wait3A_331 = arith.constant 0 : i32
      %dma_wait3A_332 = tpu.memref_slice %arg2[%dma_wait3A_330, %dma_wait3A_331] : memref<10000x128xf32, #tpu.memory_space<hbm>> -> memref<10000x128xf32, #tpu.memory_space<hbm>>
      tpu.wait_indirect_dma semaphore(%arg16 : memref<!tpu.dma_semaphore, #tpu.memory_space<semaphore_mem>>) src(%dma_wait3A_332 : memref<10000x128xf32, #tpu.memory_space<hbm>>) dst(%arg10 : memref<80x128xf32, #tpu.memory_space<vmem>>)
      %run_scoped3A = arith.constant 0 : i32
      "tpu.region"() ({
        %run_scoped3A_409 = tpu.sem_alloc : memref<!tpu.dma_semaphore, #tpu.memory_space<semaphore_mem>>
        %dma_start3A_410 = arith.constant 0 : i32
        %dma_start3A_411 = tpu.memref_slice %arg9[%mul3A_272, %run_scoped3A, %dma_start3A_410] : memref<64x1x80xi32, #tpu.memory_space<vmem>> -> memref<1x1x80xi32, #tpu.memory_space<vmem>>
        %dma_start3A_412 = tpu.memref_squeeze %dma_start3A_411 : memref<1x1x80xi32, #tpu.memory_space<vmem>> -> memref<80xi32, #tpu.memory_space<vmem>>
        %dma_start3A_413 = arith.constant 0 : i32
        %dma_start3A_414 = arith.constant 0 : i32
        %dma_start3A_415 = tpu.memref_slice %arg14[%dma_start3A_413, %dma_start3A_414] : memref<10240x128xf32, #tpu.memory_space<vmem_shared>> -> memref<10240x128xf32, #tpu.memory_space<vmem_shared>>
        tpu.enqueue_indirect_dma source(%arg10 : memref<80x128xf32, #tpu.memory_space<vmem>>) target(%dma_start3A_415 : memref<10240x128xf32, #tpu.memory_space<vmem_shared>>) offsets(%dma_start3A_412 : memref<80xi32, #tpu.memory_space<vmem>>) semaphore(%run_scoped3A_409 : memref<!tpu.dma_semaphore, #tpu.memory_space<semaphore_mem>>) {add = true}
        %dma_wait3A_416 = arith.constant 0 : i32
        %dma_wait3A_417 = tpu.memref_slice %arg9[%mul3A_272, %run_scoped3A, %dma_wait3A_416] : memref<64x1x80xi32, #tpu.memory_space<vmem>> -> memref<1x1x80xi32, #tpu.memory_space<vmem>>
        %dma_wait3A_418 = tpu.memref_squeeze %dma_wait3A_417 : memref<1x1x80xi32, #tpu.memory_space<vmem>> -> memref<80xi32, #tpu.memory_space<vmem>>
        %dma_wait3A_419 = arith.constant 0 : i32
        %dma_wait3A_420 = arith.constant 0 : i32
        %dma_wait3A_421 = tpu.memref_slice %arg14[%dma_wait3A_419, %dma_wait3A_420] : memref<10240x128xf32, #tpu.memory_space<vmem_shared>> -> memref<10240x128xf32, #tpu.memory_space<vmem_shared>>
        tpu.wait_indirect_dma semaphore(%run_scoped3A_409 : memref<!tpu.dma_semaphore, #tpu.memory_space<semaphore_mem>>) src(%arg10 : memref<80x128xf32, #tpu.memory_space<vmem>>) dst(%dma_wait3A_421 : memref<10240x128xf32, #tpu.memory_space<vmem_shared>>)
        tpu.yield
      }) : () -> ()
      %add3A_333 = arith.constant 2 : i32
      %add3A_334 = arith.addi %mul3A_272, %add3A_333 : i32
      %lt3A = arith.constant 64 : i32
      %lt3A_335 = arith.cmpi slt, %add3A_334, %lt3A : i32
      %convert_element_type3A_336 = arith.extui %lt3A_335 : i1 to i32
      %cond3A_337 = arith.constant 0 : i32
      %cond3A_338 = arith.cmpi ne, %convert_element_type3A_336, %cond3A_337 : i32
      scf.if %cond3A_338 {
        %add3A_409 = arith.constant 2 : i32
        %add3A_410 = arith.addi %mul3A_272, %add3A_409 : i32
        %mul3A_411 = arith.constant 80 : i32
        %mul3A_412 = arith.muli %add3A_410, %mul3A_411 : i32
        %dma_start3A_413 = tpu.memref_slice %arg8[%mul3A_412] : memref<5120xi32, #tpu.memory_space<vmem>> -> memref<80xi32, #tpu.memory_space<vmem>>
        %dma_start3A_414 = arith.constant 0 : i32
        %dma_start3A_415 = arith.constant 0 : i32
        %dma_start3A_416 = tpu.memref_slice %arg2[%dma_start3A_414, %dma_start3A_415] : memref<10000x128xf32, #tpu.memory_space<hbm>> -> memref<10000x128xf32, #tpu.memory_space<hbm>>
        tpu.enqueue_indirect_dma source(%dma_start3A_416 : memref<10000x128xf32, #tpu.memory_space<hbm>>) target(%arg10 : memref<80x128xf32, #tpu.memory_space<vmem>>) offsets(%dma_start3A_413 : memref<80xi32, #tpu.memory_space<vmem>>) semaphore(%arg16 : memref<!tpu.dma_semaphore, #tpu.memory_space<semaphore_mem>>)
      } else {
      }
      %broadcast_in_dim3A_339 = arith.constant 1.000000e+00 : f32
      %broadcast_in_dim3A_340 = vector.broadcast %broadcast_in_dim3A_339 : f32 to vector<16xf32>
      %get3A_341 = arith.constant 0 : i32
      %get3A_342 = arith.index_cast %add3A_274 : i32 to index
      %get3A_343 = arith.index_cast %get3A_341 : i32 to index
      %get3A_344 = arith.constant 0 : index
      %get3A_345 = tpu.vector_load %arg9[%get3A_342, %get3A_343, %get3A_344] {strides = array<i32>} : memref<64x1x80xi32, #tpu.memory_space<vmem>>, vector<16xi32>,
      %shift_right_logical3A_346 = arith.constant 7 : i32
      %shift_right_logical3A_347 = vector.broadcast %shift_right_logical3A_346 : i32 to vector<16xi32>
      %shift_right_logical3A_348 = arith.shrui %get3A_345, %shift_right_logical3A_347 : vector<16xi32>
      %and3A_349 = arith.constant 127 : i32
      %and3A_350 = vector.broadcast %and3A_349 : i32 to vector<16xi32>
      %and3A_351 = arith.andi %get3A_345, %and3A_350 : vector<16xi32>
      tpu.vector_store_idx %arg12[%shift_right_logical3A_348, %and3A_351], %broadcast_in_dim3A_340 {add = true} : memref<80x128xf32, #tpu.memory_space<vmem>>[vector<16xi32>, vector<16xi32>], vector<16xf32>,
      %get3A_352 = arith.constant 0 : i32
      %get3A_353 = arith.index_cast %add3A_274 : i32 to index
      %get3A_354 = arith.index_cast %get3A_352 : i32 to index
      %get3A_355 = arith.constant 16 : index
      %get3A_356 = tpu.vector_load %arg9[%get3A_353, %get3A_354, %get3A_355] {strides = array<i32>} : memref<64x1x80xi32, #tpu.memory_space<vmem>>, vector<16xi32>,
      %shift_right_logical3A_357 = arith.constant 7 : i32
      %shift_right_logical3A_358 = vector.broadcast %shift_right_logical3A_357 : i32 to vector<16xi32>
      %shift_right_logical3A_359 = arith.shrui %get3A_356, %shift_right_logical3A_358 : vector<16xi32>
      %and3A_360 = arith.constant 127 : i32
      %and3A_361 = vector.broadcast %and3A_360 : i32 to vector<16xi32>
      %and3A_362 = arith.andi %get3A_356, %and3A_361 : vector<16xi32>
      tpu.vector_store_idx %arg12[%shift_right_logical3A_359, %and3A_362], %broadcast_in_dim3A_340 {add = true} : memref<80x128xf32, #tpu.memory_space<vmem>>[vector<16xi32>, vector<16xi32>], vector<16xf32>,
      %get3A_363 = arith.constant 0 : i32
      %get3A_364 = arith.index_cast %add3A_274 : i32 to index
      %get3A_365 = arith.index_cast %get3A_363 : i32 to index
      %get3A_366 = arith.constant 32 : index
      %get3A_367 = tpu.vector_load %arg9[%get3A_364, %get3A_365, %get3A_366] {strides = array<i32>} : memref<64x1x80xi32, #tpu.memory_space<vmem>>, vector<16xi32>,
      %shift_right_logical3A_368 = arith.constant 7 : i32
      %shift_right_logical3A_369 = vector.broadcast %shift_right_logical3A_368 : i32 to vector<16xi32>
      %shift_right_logical3A_370 = arith.shrui %get3A_367, %shift_right_logical3A_369 : vector<16xi32>
      %and3A_371 = arith.constant 127 : i32
      %and3A_372 = vector.broadcast %and3A_371 : i32 to vector<16xi32>
      %and3A_373 = arith.andi %get3A_367, %and3A_372 : vector<16xi32>
      tpu.vector_store_idx %arg12[%shift_right_logical3A_370, %and3A_373], %broadcast_in_dim3A_340 {add = true} : memref<80x128xf32, #tpu.memory_space<vmem>>[vector<16xi32>, vector<16xi32>], vector<16xf32>,
      %get3A_374 = arith.constant 0 : i32
      %get3A_375 = arith.index_cast %add3A_274 : i32 to index
      %get3A_376 = arith.index_cast %get3A_374 : i32 to index
      %get3A_377 = arith.constant 48 : index
      %get3A_378 = tpu.vector_load %arg9[%get3A_375, %get3A_376, %get3A_377] {strides = array<i32>} : memref<64x1x80xi32, #tpu.memory_space<vmem>>, vector<16xi32>,
      %shift_right_logical3A_379 = arith.constant 7 : i32
      %shift_right_logical3A_380 = vector.broadcast %shift_right_logical3A_379 : i32 to vector<16xi32>
      %shift_right_logical3A_381 = arith.shrui %get3A_378, %shift_right_logical3A_380 : vector<16xi32>
      %and3A_382 = arith.constant 127 : i32
      %and3A_383 = vector.broadcast %and3A_382 : i32 to vector<16xi32>
      %and3A_384 = arith.andi %get3A_378, %and3A_383 : vector<16xi32>
      tpu.vector_store_idx %arg12[%shift_right_logical3A_381, %and3A_384], %broadcast_in_dim3A_340 {add = true} : memref<80x128xf32, #tpu.memory_space<vmem>>[vector<16xi32>, vector<16xi32>], vector<16xf32>,
      %get3A_385 = arith.constant 0 : i32
      %get3A_386 = arith.index_cast %add3A_274 : i32 to index
      %get3A_387 = arith.index_cast %get3A_385 : i32 to index
      %get3A_388 = arith.constant 64 : index
      %get3A_389 = tpu.vector_load %arg9[%get3A_386, %get3A_387, %get3A_388] {strides = array<i32>} : memref<64x1x80xi32, #tpu.memory_space<vmem>>, vector<16xi32>,
      %shift_right_logical3A_390 = arith.constant 7 : i32
      %shift_right_logical3A_391 = vector.broadcast %shift_right_logical3A_390 : i32 to vector<16xi32>
      %shift_right_logical3A_392 = arith.shrui %get3A_389, %shift_right_logical3A_391 : vector<16xi32>
      %and3A_393 = arith.constant 127 : i32
      %and3A_394 = vector.broadcast %and3A_393 : i32 to vector<16xi32>
      %and3A_395 = arith.andi %get3A_389, %and3A_394 : vector<16xi32>
      tpu.vector_store_idx %arg12[%shift_right_logical3A_392, %and3A_395], %broadcast_in_dim3A_340 {add = true} : memref<80x128xf32, #tpu.memory_space<vmem>>[vector<16xi32>, vector<16xi32>], vector<16xf32>,
      %dma_wait3A_396 = arith.constant 80 : i32
      %dma_wait3A_397 = tpu.memref_slice %arg8[%dma_wait3A_396] : memref<5120xi32, #tpu.memory_space<vmem>> -> memref<80xi32, #tpu.memory_space<vmem>>
      %dma_wait3A_398 = arith.constant 0 : i32
      %dma_wait3A_399 = arith.constant 0 : i32
      %dma_wait3A_400 = tpu.memref_slice %arg2[%dma_wait3A_398, %dma_wait3A_399] : memref<10000x128xf32, #tpu.memory_space<hbm>> -> memref<10000x128xf32, #tpu.memory_space<hbm>>
      tpu.wait_indirect_dma semaphore(%arg17 : memref<!tpu.dma_semaphore, #tpu.memory_space<semaphore_mem>>) src(%dma_wait3A_400 : memref<10000x128xf32, #tpu.memory_space<hbm>>) dst(%arg11 : memref<80x128xf32, #tpu.memory_space<vmem>>)
      %run_scoped3A_401 = arith.constant 0 : i32
      "tpu.region"() ({
        %run_scoped3A_409 = tpu.sem_alloc : memref<!tpu.dma_semaphore, #tpu.memory_space<semaphore_mem>>
        %dma_start3A_410 = arith.constant 0 : i32
        %dma_start3A_411 = tpu.memref_slice %arg9[%add3A_274, %run_scoped3A_401, %dma_start3A_410] : memref<64x1x80xi32, #tpu.memory_space<vmem>> -> memref<1x1x80xi32, #tpu.memory_space<vmem>>
        %dma_start3A_412 = tpu.memref_squeeze %dma_start3A_411 : memref<1x1x80xi32, #tpu.memory_space<vmem>> -> memref<80xi32, #tpu.memory_space<vmem>>
        %dma_start3A_413 = arith.constant 0 : i32
        %dma_start3A_414 = arith.constant 0 : i32
        %dma_start3A_415 = tpu.memref_slice %arg14[%dma_start3A_413, %dma_start3A_414] : memref<10240x128xf32, #tpu.memory_space<vmem_shared>> -> memref<10240x128xf32, #tpu.memory_space<vmem_shared>>
        tpu.enqueue_indirect_dma source(%arg11 : memref<80x128xf32, #tpu.memory_space<vmem>>) target(%dma_start3A_415 : memref<10240x128xf32, #tpu.memory_space<vmem_shared>>) offsets(%dma_start3A_412 : memref<80xi32, #tpu.memory_space<vmem>>) semaphore(%run_scoped3A_409 : memref<!tpu.dma_semaphore, #tpu.memory_space<semaphore_mem>>) {add = true}
        %dma_wait3A_416 = arith.constant 0 : i32
        %dma_wait3A_417 = tpu.memref_slice %arg9[%add3A_274, %run_scoped3A_401, %dma_wait3A_416] : memref<64x1x80xi32, #tpu.memory_space<vmem>> -> memref<1x1x80xi32, #tpu.memory_space<vmem>>
        %dma_wait3A_418 = tpu.memref_squeeze %dma_wait3A_417 : memref<1x1x80xi32, #tpu.memory_space<vmem>> -> memref<80xi32, #tpu.memory_space<vmem>>
        %dma_wait3A_419 = arith.constant 0 : i32
        %dma_wait3A_420 = arith.constant 0 : i32
        %dma_wait3A_421 = tpu.memref_slice %arg14[%dma_wait3A_419, %dma_wait3A_420] : memref<10240x128xf32, #tpu.memory_space<vmem_shared>> -> memref<10240x128xf32, #tpu.memory_space<vmem_shared>>
        tpu.wait_indirect_dma semaphore(%run_scoped3A_409 : memref<!tpu.dma_semaphore, #tpu.memory_space<semaphore_mem>>) src(%arg11 : memref<80x128xf32, #tpu.memory_space<vmem>>) dst(%dma_wait3A_421 : memref<10240x128xf32, #tpu.memory_space<vmem_shared>>)
        tpu.yield
      }) : () -> ()
      %add3A_402 = arith.constant 2 : i32
      %add3A_403 = arith.addi %add3A_274, %add3A_402 : i32
      %lt3A_404 = arith.constant 64 : i32
      %lt3A_405 = arith.cmpi slt, %add3A_403, %lt3A_404 : i32
      %convert_element_type3A_406 = arith.extui %lt3A_405 : i1 to i32
      %cond3A_407 = arith.constant 0 : i32
      %cond3A_408 = arith.cmpi ne, %convert_element_type3A_406, %cond3A_407 : i32
      scf.if %cond3A_408 {
        %add3A_409 = arith.constant 2 : i32
        %add3A_410 = arith.addi %add3A_274, %add3A_409 : i32
        %mul3A_411 = arith.constant 80 : i32
        %mul3A_412 = arith.muli %add3A_410, %mul3A_411 : i32
        %dma_start3A_413 = tpu.memref_slice %arg8[%mul3A_412] : memref<5120xi32, #tpu.memory_space<vmem>> -> memref<80xi32, #tpu.memory_space<vmem>>
        %dma_start3A_414 = arith.constant 0 : i32
        %dma_start3A_415 = arith.constant 0 : i32
        %dma_start3A_416 = tpu.memref_slice %arg2[%dma_start3A_414, %dma_start3A_415] : memref<10000x128xf32, #tpu.memory_space<hbm>> -> memref<10000x128xf32, #tpu.memory_space<hbm>>
        tpu.enqueue_indirect_dma source(%dma_start3A_416 : memref<10000x128xf32, #tpu.memory_space<hbm>>) target(%arg11 : memref<80x128xf32, #tpu.memory_space<vmem>>) offsets(%dma_start3A_413 : memref<80xi32, #tpu.memory_space<vmem>>) semaphore(%arg17 : memref<!tpu.dma_semaphore, #tpu.memory_space<semaphore_mem>>)
      } else {
      }
    }
    %scan3A_81 = arith.constant 32 : i32
    "tpu.region"() ({
      %run_scoped3A = tpu.sem_alloc : memref<!tpu.dma_semaphore, #tpu.memory_space<semaphore_mem>>
      %dma_start3A_270 = arith.constant 0 : i32
      %dma_start3A_271 = arith.constant 0 : i32
      %dma_start3A_272 = tpu.memref_slice %arg15[%dma_start3A_270, %dma_start3A_271] : memref<80x128xf32, #tpu.memory_space<vmem_shared>> -> memref<80x128xf32, #tpu.memory_space<vmem_shared>>
      tpu.enqueue_indirect_dma source(%arg12 : memref<80x128xf32, #tpu.memory_space<vmem>>) target(%dma_start3A_272 : memref<80x128xf32, #tpu.memory_space<vmem_shared>>) offsets(%arg13 : memref<80xi32, #tpu.memory_space<vmem>>) semaphore(%run_scoped3A : memref<!tpu.dma_semaphore, #tpu.memory_space<semaphore_mem>>) {add = true}
      %dma_wait3A_273 = arith.constant 0 : i32
      %dma_wait3A_274 = arith.constant 0 : i32
      %dma_wait3A_275 = tpu.memref_slice %arg15[%dma_wait3A_273, %dma_wait3A_274] : memref<80x128xf32, #tpu.memory_space<vmem_shared>> -> memref<80x128xf32, #tpu.memory_space<vmem_shared>>
      tpu.wait_indirect_dma semaphore(%run_scoped3A : memref<!tpu.dma_semaphore, #tpu.memory_space<semaphore_mem>>) src(%arg12 : memref<80x128xf32, #tpu.memory_space<vmem>>) dst(%dma_wait3A_275 : memref<80x128xf32, #tpu.memory_space<vmem_shared>>)
      tpu.yield
    }) : () -> ()
    %barrier3A_82 = arith.constant 0 : index
    tpu.barrier barrier_id(%barrier3A_82)
    %add3A_83 = arith.constant 0 : i32
    %add3A_84 = arith.addi %add3A_83, %arg0 : i32
    %mul3A_85 = arith.constant 10240 : i32
    %mul3A_86 = arith.muli %add3A_84, %mul3A_85 : i32
    %add3A_87 = arith.addi %mul3A_86, %mul3A_2 : i32
    %dma_start3A_88 = arith.constant 0 : i32
    %dma_start3A_89 = tpu.memref_slice %arg6[%add3A_87, %dma_start3A_88] : memref<61440x128xf32, #tpu.memory_space<hbm>> -> memref<640x128xf32, #tpu.memory_space<hbm>>
    %dma_start3A_90 = arith.constant 0 : i32
    %dma_start3A_91 = tpu.memref_slice %arg14[%mul3A_2, %dma_start3A_90] : memref<10240x128xf32, #tpu.memory_space<vmem_shared>> -> memref<640x128xf32, #tpu.memory_space<vmem_shared>>
    tpu.enqueue_dma source(%dma_start3A_91 : memref<640x128xf32, #tpu.memory_space<vmem_shared>>) target(%dma_start3A_89 : memref<640x128xf32, #tpu.memory_space<hbm>>) target_semaphore(%arg19 : memref<!tpu.dma_semaphore, #tpu.memory_space<semaphore_mem>>)
    %eq3A_92 = arith.constant 0 : i32
    %eq3A_93 = arith.cmpi eq, %arg1, %eq3A_92 : i32
    %convert_element_type3A_94 = arith.extui %eq3A_93 : i1 to i32
    %cond3A_95 = arith.constant 0 : i32
    %cond3A_96 = arith.cmpi ne, %convert_element_type3A_94, %cond3A_95 : i32
    scf.if %cond3A_96 {
      %add3A_270 = arith.constant 0 : i32
      %add3A_271 = arith.addi %add3A_270, %arg0 : i32
      %mul3A_272 = arith.constant 80 : i32
      %mul3A_273 = arith.muli %add3A_271, %mul3A_272 : i32
      "tpu.region"() ({
        %run_scoped3A = tpu.sem_alloc : memref<!tpu.dma_semaphore, #tpu.memory_space<semaphore_mem>>
        %dma_start3A_274 = arith.constant 0 : i32
        %dma_start3A_275 = tpu.memref_slice %arg7[%mul3A_273, %dma_start3A_274] : memref<480x128xf32, #tpu.memory_space<hbm>> -> memref<80x128xf32, #tpu.memory_space<hbm>>
        tpu.enqueue_dma source(%arg15 : memref<80x128xf32, #tpu.memory_space<vmem_shared>>) target(%dma_start3A_275 : memref<80x128xf32, #tpu.memory_space<hbm>>) target_semaphore(%run_scoped3A : memref<!tpu.dma_semaphore, #tpu.memory_space<semaphore_mem>>)
        %dma_wait3A_276 = arith.constant 0 : i32
        %dma_wait3A_277 = tpu.memref_slice %arg7[%mul3A_273, %dma_wait3A_276] : memref<480x128xf32, #tpu.memory_space<hbm>> -> memref<80x128xf32, #tpu.memory_space<hbm>>
        tpu.wait_dma2 semaphore(%run_scoped3A : memref<!tpu.dma_semaphore, #tpu.memory_space<semaphore_mem>>) src(%arg15 : memref<80x128xf32, #tpu.memory_space<vmem_shared>>) dst(%dma_wait3A_277 : memref<80x128xf32, #tpu.memory_space<hbm>>)
        tpu.yield
      }) : () -> ()
    } else {
    }
    %add3A_97 = arith.constant 32 : i32
    %add3A_98 = arith.addi %add3A_97, %add3A : i32
    %mul3A_99 = arith.constant 5120 : i32
    %mul3A_100 = arith.muli %add3A_98, %mul3A_99 : i32
    %dma_start3A_101 = tpu.memref_slice %arg4[%mul3A_100] : memref<491520xi32, #tpu.memory_space<hbm>> -> memref<5120xi32, #tpu.memory_space<hbm>>
    %dma_start3A_102 = tpu.memref_slice %arg4[%mul3A_100] : memref<491520xi32, #tpu.memory_space<hbm>> -> memref<5120xi32, #tpu.memory_space<hbm>>
    tpu.enqueue_dma source(%dma_start3A_102 : memref<5120xi32, #tpu.memory_space<hbm>>) target(%arg8 : memref<5120xi32, #tpu.memory_space<vmem>>) target_semaphore(%arg16 : memref<!tpu.dma_semaphore, #tpu.memory_space<semaphore_mem>>)
    %mul3A_103 = arith.constant 64 : i32
    %mul3A_104 = arith.muli %add3A_98, %mul3A_103 : i32
    %dma_start3A_105 = arith.constant 0 : i32
    %dma_start3A_106 = arith.constant 0 : i32
    %dma_start3A_107 = tpu.memref_slice %arg5[%mul3A_104, %dma_start3A_105, %dma_start3A_106] : memref<6144x1x80xi32, #tpu.memory_space<hbm>> -> memref<64x1x80xi32, #tpu.memory_space<hbm>>
    %dma_start3A_108 = arith.constant 0 : i32
    %dma_start3A_109 = arith.constant 0 : i32
    %dma_start3A_110 = tpu.memref_slice %arg5[%mul3A_104, %dma_start3A_108, %dma_start3A_109] : memref<6144x1x80xi32, #tpu.memory_space<hbm>> -> memref<64x1x80xi32, #tpu.memory_space<hbm>>
    tpu.enqueue_dma source(%dma_start3A_110 : memref<64x1x80xi32, #tpu.memory_space<hbm>>) target(%arg9 : memref<64x1x80xi32, #tpu.memory_space<vmem>>) target_semaphore(%arg17 : memref<!tpu.dma_semaphore, #tpu.memory_space<semaphore_mem>>)
    %add3A_111 = arith.constant 0 : i32
    %add3A_112 = arith.addi %add3A_111, %arg0 : i32
    %mul3A_113 = arith.constant 10240 : i32
    %mul3A_114 = arith.muli %add3A_112, %mul3A_113 : i32
    %add3A_115 = arith.addi %mul3A_114, %mul3A_2 : i32
    %dma_wait3A_116 = arith.constant 0 : i32
    %dma_wait3A_117 = tpu.memref_slice %arg6[%add3A_115, %dma_wait3A_116] : memref<61440x128xf32, #tpu.memory_space<hbm>> -> memref<640x128xf32, #tpu.memory_space<hbm>>
    %dma_wait3A_118 = arith.constant 0 : i32
    %dma_wait3A_119 = tpu.memref_slice %arg14[%mul3A_2, %dma_wait3A_118] : memref<10240x128xf32, #tpu.memory_space<vmem_shared>> -> memref<640x128xf32, #tpu.memory_space<vmem_shared>>
    tpu.wait_dma2 semaphore(%arg19 : memref<!tpu.dma_semaphore, #tpu.memory_space<semaphore_mem>>) src(%dma_wait3A_119 : memref<640x128xf32, #tpu.memory_space<vmem_shared>>) dst(%dma_wait3A_117 : memref<640x128xf32, #tpu.memory_space<hbm>>)
    %dma_start3A_120 = arith.constant 0 : i32
    %dma_start3A_121 = tpu.memref_slice %arg14[%mul3A_2, %dma_start3A_120] : memref<10240x128xf32, #tpu.memory_space<vmem_shared>> -> memref<640x128xf32, #tpu.memory_space<vmem_shared>>
    tpu.enqueue_dma source(%arg3 : memref<640x128xf32, #tpu.memory_space<hbm>>) target(%dma_start3A_121 : memref<640x128xf32, #tpu.memory_space<vmem_shared>>) target_semaphore(%arg18 : memref<!tpu.dma_semaphore, #tpu.memory_space<semaphore_mem>>)
    %eq3A_122 = arith.constant 0 : i32
    %eq3A_123 = arith.cmpi eq, %arg1, %eq3A_122 : i32
    %convert_element_type3A_124 = arith.extui %eq3A_123 : i1 to i32
    %cond3A_125 = arith.constant 0 : i32
    %cond3A_126 = arith.cmpi ne, %convert_element_type3A_124, %cond3A_125 : i32
    scf.if %cond3A_126 {
      "tpu.region"() ({
        %run_scoped3A = tpu.sem_alloc : memref<!tpu.dma_semaphore, #tpu.memory_space<semaphore_mem>>
        %dma_start3A_270 = arith.constant 0 : i32
        %dma_start3A_271 = arith.constant 0 : i32
        %dma_start3A_272 = tpu.memref_slice %arg3[%dma_start3A_270, %dma_start3A_271] : memref<640x128xf32, #tpu.memory_space<hbm>> -> memref<80x128xf32, #tpu.memory_space<hbm>>
        tpu.enqueue_dma source(%dma_start3A_272 : memref<80x128xf32, #tpu.memory_space<hbm>>) target(%arg15 : memref<80x128xf32, #tpu.memory_space<vmem_shared>>) target_semaphore(%run_scoped3A : memref<!tpu.dma_semaphore, #tpu.memory_space<semaphore_mem>>)
        %dma_wait3A_273 = arith.constant 0 : i32
        %dma_wait3A_274 = arith.constant 0 : i32
        %dma_wait3A_275 = tpu.memref_slice %arg3[%dma_wait3A_273, %dma_wait3A_274] : memref<640x128xf32, #tpu.memory_space<hbm>> -> memref<80x128xf32, #tpu.memory_space<hbm>>
        tpu.wait_dma2 semaphore(%run_scoped3A : memref<!tpu.dma_semaphore, #tpu.memory_space<semaphore_mem>>) src(%dma_wait3A_275 : memref<80x128xf32, #tpu.memory_space<hbm>>) dst(%arg15 : memref<80x128xf32, #tpu.memory_space<vmem_shared>>)
        tpu.yield
      }) : () -> ()
    } else {
    }
    %scan3A_127 = arith.constant 0 : i32
    %scan3A_128 = arith.constant 0 : i32
    %scan3A_129 = arith.constant 80 : i32
    %scan3A_130 = arith.addi %scan3A_128, %scan3A_129 : i32
    %scan3A_131 = arith.constant 1 : i32
    scf.for %scan3A_270 = %scan3A_128 to %scan3A_130 step %scan3A_131  : i32 {
      %broadcast_in_dim3A = arith.constant 0.000000e+00 : f32
      %broadcast_in_dim3A_271 = vector.broadcast %broadcast_in_dim3A : f32 to vector<16xf32>
      %swap3A_272 = arith.index_cast %scan3A_270 : i32 to index
      %swap3A_273 = arith.constant 0 : index
      %swap3A_274 = tpu.vector_load %arg12[%swap3A_272, %swap3A_273] {strides = array<i32>} : memref<80x128xf32, #tpu.memory_space<vmem>>, vector<16xf32>,
      tpu.vector_store %arg12[%swap3A_272, %swap3A_273], %broadcast_in_dim3A_271 {strides = array<i32>} : memref<80x128xf32, #tpu.memory_space<vmem>>, vector<16xf32>,
      %broadcast_in_dim3A_275 = arith.constant 0.000000e+00 : f32
      %broadcast_in_dim3A_276 = vector.broadcast %broadcast_in_dim3A_275 : f32 to vector<16xf32>
      %swap3A_277 = arith.index_cast %scan3A_270 : i32 to index
      %swap3A_278 = arith.constant 16 : index
      %swap3A_279 = tpu.vector_load %arg12[%swap3A_277, %swap3A_278] {strides = array<i32>} : memref<80x128xf32, #tpu.memory_space<vmem>>, vector<16xf32>,
      tpu.vector_store %arg12[%swap3A_277, %swap3A_278], %broadcast_in_dim3A_276 {strides = array<i32>} : memref<80x128xf32, #tpu.memory_space<vmem>>, vector<16xf32>,
      %broadcast_in_dim3A_280 = arith.constant 0.000000e+00 : f32
      %broadcast_in_dim3A_281 = vector.broadcast %broadcast_in_dim3A_280 : f32 to vector<16xf32>
      %swap3A_282 = arith.index_cast %scan3A_270 : i32 to index
      %swap3A_283 = arith.constant 32 : index
      %swap3A_284 = tpu.vector_load %arg12[%swap3A_282, %swap3A_283] {strides = array<i32>} : memref<80x128xf32, #tpu.memory_space<vmem>>, vector<16xf32>,
      tpu.vector_store %arg12[%swap3A_282, %swap3A_283], %broadcast_in_dim3A_281 {strides = array<i32>} : memref<80x128xf32, #tpu.memory_space<vmem>>, vector<16xf32>,
      %broadcast_in_dim3A_285 = arith.constant 0.000000e+00 : f32
      %broadcast_in_dim3A_286 = vector.broadcast %broadcast_in_dim3A_285 : f32 to vector<16xf32>
      %swap3A_287 = arith.index_cast %scan3A_270 : i32 to index
      %swap3A_288 = arith.constant 48 : index
      %swap3A_289 = tpu.vector_load %arg12[%swap3A_287, %swap3A_288] {strides = array<i32>} : memref<80x128xf32, #tpu.memory_space<vmem>>, vector<16xf32>,
      tpu.vector_store %arg12[%swap3A_287, %swap3A_288], %broadcast_in_dim3A_286 {strides = array<i32>} : memref<80x128xf32, #tpu.memory_space<vmem>>, vector<16xf32>,
      %broadcast_in_dim3A_290 = arith.constant 0.000000e+00 : f32
      %broadcast_in_dim3A_291 = vector.broadcast %broadcast_in_dim3A_290 : f32 to vector<16xf32>
      %swap3A_292 = arith.index_cast %scan3A_270 : i32 to index
      %swap3A_293 = arith.constant 64 : index
      %swap3A_294 = tpu.vector_load %arg12[%swap3A_292, %swap3A_293] {strides = array<i32>} : memref<80x128xf32, #tpu.memory_space<vmem>>, vector<16xf32>,
      tpu.vector_store %arg12[%swap3A_292, %swap3A_293], %broadcast_in_dim3A_291 {strides = array<i32>} : memref<80x128xf32, #tpu.memory_space<vmem>>, vector<16xf32>,
      %broadcast_in_dim3A_295 = arith.constant 0.000000e+00 : f32
      %broadcast_in_dim3A_296 = vector.broadcast %broadcast_in_dim3A_295 : f32 to vector<16xf32>
      %swap3A_297 = arith.index_cast %scan3A_270 : i32 to index
      %swap3A_298 = arith.constant 80 : index
      %swap3A_299 = tpu.vector_load %arg12[%swap3A_297, %swap3A_298] {strides = array<i32>} : memref<80x128xf32, #tpu.memory_space<vmem>>, vector<16xf32>,
      tpu.vector_store %arg12[%swap3A_297, %swap3A_298], %broadcast_in_dim3A_296 {strides = array<i32>} : memref<80x128xf32, #tpu.memory_space<vmem>>, vector<16xf32>,
      %broadcast_in_dim3A_300 = arith.constant 0.000000e+00 : f32
      %broadcast_in_dim3A_301 = vector.broadcast %broadcast_in_dim3A_300 : f32 to vector<16xf32>
      %swap3A_302 = arith.index_cast %scan3A_270 : i32 to index
      %swap3A_303 = arith.constant 96 : index
      %swap3A_304 = tpu.vector_load %arg12[%swap3A_302, %swap3A_303] {strides = array<i32>} : memref<80x128xf32, #tpu.memory_space<vmem>>, vector<16xf32>,
      tpu.vector_store %arg12[%swap3A_302, %swap3A_303], %broadcast_in_dim3A_301 {strides = array<i32>} : memref<80x128xf32, #tpu.memory_space<vmem>>, vector<16xf32>,
      %broadcast_in_dim3A_305 = arith.constant 0.000000e+00 : f32
      %broadcast_in_dim3A_306 = vector.broadcast %broadcast_in_dim3A_305 : f32 to vector<16xf32>
      %swap3A_307 = arith.index_cast %scan3A_270 : i32 to index
      %swap3A_308 = arith.constant 112 : index
      %swap3A_309 = tpu.vector_load %arg12[%swap3A_307, %swap3A_308] {strides = array<i32>} : memref<80x128xf32, #tpu.memory_space<vmem>>, vector<16xf32>,
      tpu.vector_store %arg12[%swap3A_307, %swap3A_308], %broadcast_in_dim3A_306 {strides = array<i32>} : memref<80x128xf32, #tpu.memory_space<vmem>>, vector<16xf32>,
    }
    %scan3A_132 = arith.constant 80 : i32
    %mul3A_133 = arith.constant 5120 : i32
    %mul3A_134 = arith.muli %add3A_98, %mul3A_133 : i32
    %dma_wait3A_135 = tpu.memref_slice %arg4[%mul3A_134] : memref<491520xi32, #tpu.memory_space<hbm>> -> memref<5120xi32, #tpu.memory_space<hbm>>
    %dma_wait3A_136 = tpu.memref_slice %arg4[%mul3A_134] : memref<491520xi32, #tpu.memory_space<hbm>> -> memref<5120xi32, #tpu.memory_space<hbm>>
    tpu.wait_dma2 semaphore(%arg16 : memref<!tpu.dma_semaphore, #tpu.memory_space<semaphore_mem>>) src(%dma_wait3A_136 : memref<5120xi32, #tpu.memory_space<hbm>>) dst(%arg8 : memref<5120xi32, #tpu.memory_space<vmem>>)
    %dma_start3A_137 = arith.constant 0 : i32
    %dma_start3A_138 = tpu.memref_slice %arg8[%dma_start3A_137] : memref<5120xi32, #tpu.memory_space<vmem>> -> memref<80xi32, #tpu.memory_space<vmem>>
    %dma_start3A_139 = arith.constant 0 : i32
    %dma_start3A_140 = arith.constant 0 : i32
    %dma_start3A_141 = tpu.memref_slice %arg2[%dma_start3A_139, %dma_start3A_140] : memref<10000x128xf32, #tpu.memory_space<hbm>> -> memref<10000x128xf32, #tpu.memory_space<hbm>>
    tpu.enqueue_indirect_dma source(%dma_start3A_141 : memref<10000x128xf32, #tpu.memory_space<hbm>>) target(%arg10 : memref<80x128xf32, #tpu.memory_space<vmem>>) offsets(%dma_start3A_138 : memref<80xi32, #tpu.memory_space<vmem>>) semaphore(%arg16 : memref<!tpu.dma_semaphore, #tpu.memory_space<semaphore_mem>>)
    %mul3A_142 = arith.constant 64 : i32
    %mul3A_143 = arith.muli %add3A_98, %mul3A_142 : i32
    %dma_wait3A_144 = arith.constant 0 : i32
    %dma_wait3A_145 = arith.constant 0 : i32
    %dma_wait3A_146 = tpu.memref_slice %arg5[%mul3A_143, %dma_wait3A_144, %dma_wait3A_145] : memref<6144x1x80xi32, #tpu.memory_space<hbm>> -> memref<64x1x80xi32, #tpu.memory_space<hbm>>
    %dma_wait3A_147 = arith.constant 0 : i32
    %dma_wait3A_148 = arith.constant 0 : i32
    %dma_wait3A_149 = tpu.memref_slice %arg5[%mul3A_143, %dma_wait3A_147, %dma_wait3A_148] : memref<6144x1x80xi32, #tpu.memory_space<hbm>> -> memref<64x1x80xi32, #tpu.memory_space<hbm>>
    tpu.wait_dma2 semaphore(%arg17 : memref<!tpu.dma_semaphore, #tpu.memory_space<semaphore_mem>>) src(%dma_wait3A_149 : memref<64x1x80xi32, #tpu.memory_space<hbm>>) dst(%arg9 : memref<64x1x80xi32, #tpu.memory_space<vmem>>)
    %dma_start3A_150 = arith.constant 80 : i32
    %dma_start3A_151 = tpu.memref_slice %arg8[%dma_start3A_150] : memref<5120xi32, #tpu.memory_space<vmem>> -> memref<80xi32, #tpu.memory_space<vmem>>
    %dma_start3A_152 = arith.constant 0 : i32
    %dma_start3A_153 = arith.constant 0 : i32
    %dma_start3A_154 = tpu.memref_slice %arg2[%dma_start3A_152, %dma_start3A_153] : memref<10000x128xf32, #tpu.memory_space<hbm>> -> memref<10000x128xf32, #tpu.memory_space<hbm>>
    tpu.enqueue_indirect_dma source(%dma_start3A_154 : memref<10000x128xf32, #tpu.memory_space<hbm>>) target(%arg11 : memref<80x128xf32, #tpu.memory_space<vmem>>) offsets(%dma_start3A_151 : memref<80xi32, #tpu.memory_space<vmem>>) semaphore(%arg17 : memref<!tpu.dma_semaphore, #tpu.memory_space<semaphore_mem>>)
    %dma_wait3A_155 = arith.constant 0 : i32
    %dma_wait3A_156 = tpu.memref_slice %arg14[%mul3A_2, %dma_wait3A_155] : memref<10240x128xf32, #tpu.memory_space<vmem_shared>> -> memref<640x128xf32, #tpu.memory_space<vmem_shared>>
    tpu.wait_dma2 semaphore(%arg18 : memref<!tpu.dma_semaphore, #tpu.memory_space<semaphore_mem>>) src(%arg3 : memref<640x128xf32, #tpu.memory_space<hbm>>) dst(%dma_wait3A_156 : memref<640x128xf32, #tpu.memory_space<vmem_shared>>)
    %barrier3A_157 = arith.constant 0 : index
    tpu.barrier barrier_id(%barrier3A_157)
    %scan3A_158 = arith.constant 0 : i32
    %scan3A_159 = arith.constant 0 : i32
    %scan3A_160 = arith.constant 32 : i32
    %scan3A_161 = arith.addi %scan3A_159, %scan3A_160 : i32
    %scan3A_162 = arith.constant 1 : i32
    scf.for %scan3A_270 = %scan3A_159 to %scan3A_161 step %scan3A_162  : i32 {
      %mul3A_271 = arith.constant 2 : i32
      %mul3A_272 = arith.muli %mul3A_271, %scan3A_270 : i32
      %add3A_273 = arith.constant 1 : i32
      %add3A_274 = arith.addi %mul3A_272, %add3A_273 : i32
      %broadcast_in_dim3A = arith.constant 1.000000e+00 : f32
      %broadcast_in_dim3A_275 = vector.broadcast %broadcast_in_dim3A : f32 to vector<16xf32>
      %get3A = arith.constant 0 : i32
      %get3A_276 = arith.index_cast %mul3A_272 : i32 to index
      %get3A_277 = arith.index_cast %get3A : i32 to index
      %get3A_278 = arith.constant 0 : index
      %get3A_279 = tpu.vector_load %arg9[%get3A_276, %get3A_277, %get3A_278] {strides = array<i32>} : memref<64x1x80xi32, #tpu.memory_space<vmem>>, vector<16xi32>,
      %shift_right_logical3A = arith.constant 7 : i32
      %shift_right_logical3A_280 = vector.broadcast %shift_right_logical3A : i32 to vector<16xi32>
      %shift_right_logical3A_281 = arith.shrui %get3A_279, %shift_right_logical3A_280 : vector<16xi32>
      %and3A = arith.constant 127 : i32
      %and3A_282 = vector.broadcast %and3A : i32 to vector<16xi32>
      %and3A_283 = arith.andi %get3A_279, %and3A_282 : vector<16xi32>
      tpu.vector_store_idx %arg12[%shift_right_logical3A_281, %and3A_283], %broadcast_in_dim3A_275 {add = true} : memref<80x128xf32, #tpu.memory_space<vmem>>[vector<16xi32>, vector<16xi32>], vector<16xf32>,
      %get3A_284 = arith.constant 0 : i32
      %get3A_285 = arith.index_cast %mul3A_272 : i32 to index
      %get3A_286 = arith.index_cast %get3A_284 : i32 to index
      %get3A_287 = arith.constant 16 : index
      %get3A_288 = tpu.vector_load %arg9[%get3A_285, %get3A_286, %get3A_287] {strides = array<i32>} : memref<64x1x80xi32, #tpu.memory_space<vmem>>, vector<16xi32>,
      %shift_right_logical3A_289 = arith.constant 7 : i32
      %shift_right_logical3A_290 = vector.broadcast %shift_right_logical3A_289 : i32 to vector<16xi32>
      %shift_right_logical3A_291 = arith.shrui %get3A_288, %shift_right_logical3A_290 : vector<16xi32>
      %and3A_292 = arith.constant 127 : i32
      %and3A_293 = vector.broadcast %and3A_292 : i32 to vector<16xi32>
      %and3A_294 = arith.andi %get3A_288, %and3A_293 : vector<16xi32>
      tpu.vector_store_idx %arg12[%shift_right_logical3A_291, %and3A_294], %broadcast_in_dim3A_275 {add = true} : memref<80x128xf32, #tpu.memory_space<vmem>>[vector<16xi32>, vector<16xi32>], vector<16xf32>,
      %get3A_295 = arith.constant 0 : i32
      %get3A_296 = arith.index_cast %mul3A_272 : i32 to index
      %get3A_297 = arith.index_cast %get3A_295 : i32 to index
      %get3A_298 = arith.constant 32 : index
      %get3A_299 = tpu.vector_load %arg9[%get3A_296, %get3A_297, %get3A_298] {strides = array<i32>} : memref<64x1x80xi32, #tpu.memory_space<vmem>>, vector<16xi32>,
      %shift_right_logical3A_300 = arith.constant 7 : i32
      %shift_right_logical3A_301 = vector.broadcast %shift_right_logical3A_300 : i32 to vector<16xi32>
      %shift_right_logical3A_302 = arith.shrui %get3A_299, %shift_right_logical3A_301 : vector<16xi32>
      %and3A_303 = arith.constant 127 : i32
      %and3A_304 = vector.broadcast %and3A_303 : i32 to vector<16xi32>
      %and3A_305 = arith.andi %get3A_299, %and3A_304 : vector<16xi32>
      tpu.vector_store_idx %arg12[%shift_right_logical3A_302, %and3A_305], %broadcast_in_dim3A_275 {add = true} : memref<80x128xf32, #tpu.memory_space<vmem>>[vector<16xi32>, vector<16xi32>], vector<16xf32>,
      %get3A_306 = arith.constant 0 : i32
      %get3A_307 = arith.index_cast %mul3A_272 : i32 to index
      %get3A_308 = arith.index_cast %get3A_306 : i32 to index
      %get3A_309 = arith.constant 48 : index
      %get3A_310 = tpu.vector_load %arg9[%get3A_307, %get3A_308, %get3A_309] {strides = array<i32>} : memref<64x1x80xi32, #tpu.memory_space<vmem>>, vector<16xi32>,
      %shift_right_logical3A_311 = arith.constant 7 : i32
      %shift_right_logical3A_312 = vector.broadcast %shift_right_logical3A_311 : i32 to vector<16xi32>
      %shift_right_logical3A_313 = arith.shrui %get3A_310, %shift_right_logical3A_312 : vector<16xi32>
      %and3A_314 = arith.constant 127 : i32
      %and3A_315 = vector.broadcast %and3A_314 : i32 to vector<16xi32>
      %and3A_316 = arith.andi %get3A_310, %and3A_315 : vector<16xi32>
      tpu.vector_store_idx %arg12[%shift_right_logical3A_313, %and3A_316], %broadcast_in_dim3A_275 {add = true} : memref<80x128xf32, #tpu.memory_space<vmem>>[vector<16xi32>, vector<16xi32>], vector<16xf32>,
      %get3A_317 = arith.constant 0 : i32
      %get3A_318 = arith.index_cast %mul3A_272 : i32 to index
      %get3A_319 = arith.index_cast %get3A_317 : i32 to index
      %get3A_320 = arith.constant 64 : index
      %get3A_321 = tpu.vector_load %arg9[%get3A_318, %get3A_319, %get3A_320] {strides = array<i32>} : memref<64x1x80xi32, #tpu.memory_space<vmem>>, vector<16xi32>,
      %shift_right_logical3A_322 = arith.constant 7 : i32
      %shift_right_logical3A_323 = vector.broadcast %shift_right_logical3A_322 : i32 to vector<16xi32>
      %shift_right_logical3A_324 = arith.shrui %get3A_321, %shift_right_logical3A_323 : vector<16xi32>
      %and3A_325 = arith.constant 127 : i32
      %and3A_326 = vector.broadcast %and3A_325 : i32 to vector<16xi32>
      %and3A_327 = arith.andi %get3A_321, %and3A_326 : vector<16xi32>
      tpu.vector_store_idx %arg12[%shift_right_logical3A_324, %and3A_327], %broadcast_in_dim3A_275 {add = true} : memref<80x128xf32, #tpu.memory_space<vmem>>[vector<16xi32>, vector<16xi32>], vector<16xf32>,
      %dma_wait3A_328 = arith.constant 0 : i32
      %dma_wait3A_329 = tpu.memref_slice %arg8[%dma_wait3A_328] : memref<5120xi32, #tpu.memory_space<vmem>> -> memref<80xi32, #tpu.memory_space<vmem>>
      %dma_wait3A_330 = arith.constant 0 : i32
      %dma_wait3A_331 = arith.constant 0 : i32
      %dma_wait3A_332 = tpu.memref_slice %arg2[%dma_wait3A_330, %dma_wait3A_331] : memref<10000x128xf32, #tpu.memory_space<hbm>> -> memref<10000x128xf32, #tpu.memory_space<hbm>>
      tpu.wait_indirect_dma semaphore(%arg16 : memref<!tpu.dma_semaphore, #tpu.memory_space<semaphore_mem>>) src(%dma_wait3A_332 : memref<10000x128xf32, #tpu.memory_space<hbm>>) dst(%arg10 : memref<80x128xf32, #tpu.memory_space<vmem>>)
      %run_scoped3A = arith.constant 0 : i32
      "tpu.region"() ({
        %run_scoped3A_409 = tpu.sem_alloc : memref<!tpu.dma_semaphore, #tpu.memory_space<semaphore_mem>>
        %dma_start3A_410 = arith.constant 0 : i32
        %dma_start3A_411 = tpu.memref_slice %arg9[%mul3A_272, %run_scoped3A, %dma_start3A_410] : memref<64x1x80xi32, #tpu.memory_space<vmem>> -> memref<1x1x80xi32, #tpu.memory_space<vmem>>
        %dma_start3A_412 = tpu.memref_squeeze %dma_start3A_411 : memref<1x1x80xi32, #tpu.memory_space<vmem>> -> memref<80xi32, #tpu.memory_space<vmem>>
        %dma_start3A_413 = arith.constant 0 : i32
        %dma_start3A_414 = arith.constant 0 : i32
        %dma_start3A_415 = tpu.memref_slice %arg14[%dma_start3A_413, %dma_start3A_414] : memref<10240x128xf32, #tpu.memory_space<vmem_shared>> -> memref<10240x128xf32, #tpu.memory_space<vmem_shared>>
        tpu.enqueue_indirect_dma source(%arg10 : memref<80x128xf32, #tpu.memory_space<vmem>>) target(%dma_start3A_415 : memref<10240x128xf32, #tpu.memory_space<vmem_shared>>) offsets(%dma_start3A_412 : memref<80xi32, #tpu.memory_space<vmem>>) semaphore(%run_scoped3A_409 : memref<!tpu.dma_semaphore, #tpu.memory_space<semaphore_mem>>) {add = true}
        %dma_wait3A_416 = arith.constant 0 : i32
        %dma_wait3A_417 = tpu.memref_slice %arg9[%mul3A_272, %run_scoped3A, %dma_wait3A_416] : memref<64x1x80xi32, #tpu.memory_space<vmem>> -> memref<1x1x80xi32, #tpu.memory_space<vmem>>
        %dma_wait3A_418 = tpu.memref_squeeze %dma_wait3A_417 : memref<1x1x80xi32, #tpu.memory_space<vmem>> -> memref<80xi32, #tpu.memory_space<vmem>>
        %dma_wait3A_419 = arith.constant 0 : i32
        %dma_wait3A_420 = arith.constant 0 : i32
        %dma_wait3A_421 = tpu.memref_slice %arg14[%dma_wait3A_419, %dma_wait3A_420] : memref<10240x128xf32, #tpu.memory_space<vmem_shared>> -> memref<10240x128xf32, #tpu.memory_space<vmem_shared>>
        tpu.wait_indirect_dma semaphore(%run_scoped3A_409 : memref<!tpu.dma_semaphore, #tpu.memory_space<semaphore_mem>>) src(%arg10 : memref<80x128xf32, #tpu.memory_space<vmem>>) dst(%dma_wait3A_421 : memref<10240x128xf32, #tpu.memory_space<vmem_shared>>)
        tpu.yield
      }) : () -> ()
      %add3A_333 = arith.constant 2 : i32
      %add3A_334 = arith.addi %mul3A_272, %add3A_333 : i32
      %lt3A = arith.constant 64 : i32
      %lt3A_335 = arith.cmpi slt, %add3A_334, %lt3A : i32
      %convert_element_type3A_336 = arith.extui %lt3A_335 : i1 to i32
      %cond3A_337 = arith.constant 0 : i32
      %cond3A_338 = arith.cmpi ne, %convert_element_type3A_336, %cond3A_337 : i32
      scf.if %cond3A_338 {
        %add3A_409 = arith.constant 2 : i32
        %add3A_410 = arith.addi %mul3A_272, %add3A_409 : i32
        %mul3A_411 = arith.constant 80 : i32
        %mul3A_412 = arith.muli %add3A_410, %mul3A_411 : i32
        %dma_start3A_413 = tpu.memref_slice %arg8[%mul3A_412] : memref<5120xi32, #tpu.memory_space<vmem>> -> memref<80xi32, #tpu.memory_space<vmem>>
        %dma_start3A_414 = arith.constant 0 : i32
        %dma_start3A_415 = arith.constant 0 : i32
        %dma_start3A_416 = tpu.memref_slice %arg2[%dma_start3A_414, %dma_start3A_415] : memref<10000x128xf32, #tpu.memory_space<hbm>> -> memref<10000x128xf32, #tpu.memory_space<hbm>>
        tpu.enqueue_indirect_dma source(%dma_start3A_416 : memref<10000x128xf32, #tpu.memory_space<hbm>>) target(%arg10 : memref<80x128xf32, #tpu.memory_space<vmem>>) offsets(%dma_start3A_413 : memref<80xi32, #tpu.memory_space<vmem>>) semaphore(%arg16 : memref<!tpu.dma_semaphore, #tpu.memory_space<semaphore_mem>>)
      } else {
      }
      %broadcast_in_dim3A_339 = arith.constant 1.000000e+00 : f32
      %broadcast_in_dim3A_340 = vector.broadcast %broadcast_in_dim3A_339 : f32 to vector<16xf32>
      %get3A_341 = arith.constant 0 : i32
      %get3A_342 = arith.index_cast %add3A_274 : i32 to index
      %get3A_343 = arith.index_cast %get3A_341 : i32 to index
      %get3A_344 = arith.constant 0 : index
      %get3A_345 = tpu.vector_load %arg9[%get3A_342, %get3A_343, %get3A_344] {strides = array<i32>} : memref<64x1x80xi32, #tpu.memory_space<vmem>>, vector<16xi32>,
      %shift_right_logical3A_346 = arith.constant 7 : i32
      %shift_right_logical3A_347 = vector.broadcast %shift_right_logical3A_346 : i32 to vector<16xi32>
      %shift_right_logical3A_348 = arith.shrui %get3A_345, %shift_right_logical3A_347 : vector<16xi32>
      %and3A_349 = arith.constant 127 : i32
      %and3A_350 = vector.broadcast %and3A_349 : i32 to vector<16xi32>
      %and3A_351 = arith.andi %get3A_345, %and3A_350 : vector<16xi32>
      tpu.vector_store_idx %arg12[%shift_right_logical3A_348, %and3A_351], %broadcast_in_dim3A_340 {add = true} : memref<80x128xf32, #tpu.memory_space<vmem>>[vector<16xi32>, vector<16xi32>], vector<16xf32>,
      %get3A_352 = arith.constant 0 : i32
      %get3A_353 = arith.index_cast %add3A_274 : i32 to index
      %get3A_354 = arith.index_cast %get3A_352 : i32 to index
      %get3A_355 = arith.constant 16 : index
      %get3A_356 = tpu.vector_load %arg9[%get3A_353, %get3A_354, %get3A_355] {strides = array<i32>} : memref<64x1x80xi32, #tpu.memory_space<vmem>>, vector<16xi32>,
      %shift_right_logical3A_357 = arith.constant 7 : i32
      %shift_right_logical3A_358 = vector.broadcast %shift_right_logical3A_357 : i32 to vector<16xi32>
      %shift_right_logical3A_359 = arith.shrui %get3A_356, %shift_right_logical3A_358 : vector<16xi32>
      %and3A_360 = arith.constant 127 : i32
      %and3A_361 = vector.broadcast %and3A_360 : i32 to vector<16xi32>
      %and3A_362 = arith.andi %get3A_356, %and3A_361 : vector<16xi32>
      tpu.vector_store_idx %arg12[%shift_right_logical3A_359, %and3A_362], %broadcast_in_dim3A_340 {add = true} : memref<80x128xf32, #tpu.memory_space<vmem>>[vector<16xi32>, vector<16xi32>], vector<16xf32>,
      %get3A_363 = arith.constant 0 : i32
      %get3A_364 = arith.index_cast %add3A_274 : i32 to index
      %get3A_365 = arith.index_cast %get3A_363 : i32 to index
      %get3A_366 = arith.constant 32 : index
      %get3A_367 = tpu.vector_load %arg9[%get3A_364, %get3A_365, %get3A_366] {strides = array<i32>} : memref<64x1x80xi32, #tpu.memory_space<vmem>>, vector<16xi32>,
      %shift_right_logical3A_368 = arith.constant 7 : i32
      %shift_right_logical3A_369 = vector.broadcast %shift_right_logical3A_368 : i32 to vector<16xi32>
      %shift_right_logical3A_370 = arith.shrui %get3A_367, %shift_right_logical3A_369 : vector<16xi32>
      %and3A_371 = arith.constant 127 : i32
      %and3A_372 = vector.broadcast %and3A_371 : i32 to vector<16xi32>
      %and3A_373 = arith.andi %get3A_367, %and3A_372 : vector<16xi32>
      tpu.vector_store_idx %arg12[%shift_right_logical3A_370, %and3A_373], %broadcast_in_dim3A_340 {add = true} : memref<80x128xf32, #tpu.memory_space<vmem>>[vector<16xi32>, vector<16xi32>], vector<16xf32>,
      %get3A_374 = arith.constant 0 : i32
      %get3A_375 = arith.index_cast %add3A_274 : i32 to index
      %get3A_376 = arith.index_cast %get3A_374 : i32 to index
      %get3A_377 = arith.constant 48 : index
      %get3A_378 = tpu.vector_load %arg9[%get3A_375, %get3A_376, %get3A_377] {strides = array<i32>} : memref<64x1x80xi32, #tpu.memory_space<vmem>>, vector<16xi32>,
      %shift_right_logical3A_379 = arith.constant 7 : i32
      %shift_right_logical3A_380 = vector.broadcast %shift_right_logical3A_379 : i32 to vector<16xi32>
      %shift_right_logical3A_381 = arith.shrui %get3A_378, %shift_right_logical3A_380 : vector<16xi32>
      %and3A_382 = arith.constant 127 : i32
      %and3A_383 = vector.broadcast %and3A_382 : i32 to vector<16xi32>
      %and3A_384 = arith.andi %get3A_378, %and3A_383 : vector<16xi32>
      tpu.vector_store_idx %arg12[%shift_right_logical3A_381, %and3A_384], %broadcast_in_dim3A_340 {add = true} : memref<80x128xf32, #tpu.memory_space<vmem>>[vector<16xi32>, vector<16xi32>], vector<16xf32>,
      %get3A_385 = arith.constant 0 : i32
      %get3A_386 = arith.index_cast %add3A_274 : i32 to index
      %get3A_387 = arith.index_cast %get3A_385 : i32 to index
      %get3A_388 = arith.constant 64 : index
      %get3A_389 = tpu.vector_load %arg9[%get3A_386, %get3A_387, %get3A_388] {strides = array<i32>} : memref<64x1x80xi32, #tpu.memory_space<vmem>>, vector<16xi32>,
      %shift_right_logical3A_390 = arith.constant 7 : i32
      %shift_right_logical3A_391 = vector.broadcast %shift_right_logical3A_390 : i32 to vector<16xi32>
      %shift_right_logical3A_392 = arith.shrui %get3A_389, %shift_right_logical3A_391 : vector<16xi32>
      %and3A_393 = arith.constant 127 : i32
      %and3A_394 = vector.broadcast %and3A_393 : i32 to vector<16xi32>
      %and3A_395 = arith.andi %get3A_389, %and3A_394 : vector<16xi32>
      tpu.vector_store_idx %arg12[%shift_right_logical3A_392, %and3A_395], %broadcast_in_dim3A_340 {add = true} : memref<80x128xf32, #tpu.memory_space<vmem>>[vector<16xi32>, vector<16xi32>], vector<16xf32>,
      %dma_wait3A_396 = arith.constant 80 : i32
      %dma_wait3A_397 = tpu.memref_slice %arg8[%dma_wait3A_396] : memref<5120xi32, #tpu.memory_space<vmem>> -> memref<80xi32, #tpu.memory_space<vmem>>
      %dma_wait3A_398 = arith.constant 0 : i32
      %dma_wait3A_399 = arith.constant 0 : i32
      %dma_wait3A_400 = tpu.memref_slice %arg2[%dma_wait3A_398, %dma_wait3A_399] : memref<10000x128xf32, #tpu.memory_space<hbm>> -> memref<10000x128xf32, #tpu.memory_space<hbm>>
      tpu.wait_indirect_dma semaphore(%arg17 : memref<!tpu.dma_semaphore, #tpu.memory_space<semaphore_mem>>) src(%dma_wait3A_400 : memref<10000x128xf32, #tpu.memory_space<hbm>>) dst(%arg11 : memref<80x128xf32, #tpu.memory_space<vmem>>)
      %run_scoped3A_401 = arith.constant 0 : i32
      "tpu.region"() ({
        %run_scoped3A_409 = tpu.sem_alloc : memref<!tpu.dma_semaphore, #tpu.memory_space<semaphore_mem>>
        %dma_start3A_410 = arith.constant 0 : i32
        %dma_start3A_411 = tpu.memref_slice %arg9[%add3A_274, %run_scoped3A_401, %dma_start3A_410] : memref<64x1x80xi32, #tpu.memory_space<vmem>> -> memref<1x1x80xi32, #tpu.memory_space<vmem>>
        %dma_start3A_412 = tpu.memref_squeeze %dma_start3A_411 : memref<1x1x80xi32, #tpu.memory_space<vmem>> -> memref<80xi32, #tpu.memory_space<vmem>>
        %dma_start3A_413 = arith.constant 0 : i32
        %dma_start3A_414 = arith.constant 0 : i32
        %dma_start3A_415 = tpu.memref_slice %arg14[%dma_start3A_413, %dma_start3A_414] : memref<10240x128xf32, #tpu.memory_space<vmem_shared>> -> memref<10240x128xf32, #tpu.memory_space<vmem_shared>>
        tpu.enqueue_indirect_dma source(%arg11 : memref<80x128xf32, #tpu.memory_space<vmem>>) target(%dma_start3A_415 : memref<10240x128xf32, #tpu.memory_space<vmem_shared>>) offsets(%dma_start3A_412 : memref<80xi32, #tpu.memory_space<vmem>>) semaphore(%run_scoped3A_409 : memref<!tpu.dma_semaphore, #tpu.memory_space<semaphore_mem>>) {add = true}
        %dma_wait3A_416 = arith.constant 0 : i32
        %dma_wait3A_417 = tpu.memref_slice %arg9[%add3A_274, %run_scoped3A_401, %dma_wait3A_416] : memref<64x1x80xi32, #tpu.memory_space<vmem>> -> memref<1x1x80xi32, #tpu.memory_space<vmem>>
        %dma_wait3A_418 = tpu.memref_squeeze %dma_wait3A_417 : memref<1x1x80xi32, #tpu.memory_space<vmem>> -> memref<80xi32, #tpu.memory_space<vmem>>
        %dma_wait3A_419 = arith.constant 0 : i32
        %dma_wait3A_420 = arith.constant 0 : i32
        %dma_wait3A_421 = tpu.memref_slice %arg14[%dma_wait3A_419, %dma_wait3A_420] : memref<10240x128xf32, #tpu.memory_space<vmem_shared>> -> memref<10240x128xf32, #tpu.memory_space<vmem_shared>>
        tpu.wait_indirect_dma semaphore(%run_scoped3A_409 : memref<!tpu.dma_semaphore, #tpu.memory_space<semaphore_mem>>) src(%arg11 : memref<80x128xf32, #tpu.memory_space<vmem>>) dst(%dma_wait3A_421 : memref<10240x128xf32, #tpu.memory_space<vmem_shared>>)
        tpu.yield
      }) : () -> ()
      %add3A_402 = arith.constant 2 : i32
      %add3A_403 = arith.addi %add3A_274, %add3A_402 : i32
      %lt3A_404 = arith.constant 64 : i32
      %lt3A_405 = arith.cmpi slt, %add3A_403, %lt3A_404 : i32
      %convert_element_type3A_406 = arith.extui %lt3A_405 : i1 to i32
      %cond3A_407 = arith.constant 0 : i32
      %cond3A_408 = arith.cmpi ne, %convert_element_type3A_406, %cond3A_407 : i32
      scf.if %cond3A_408 {
        %add3A_409 = arith.constant 2 : i32
        %add3A_410 = arith.addi %add3A_274, %add3A_409 : i32
        %mul3A_411 = arith.constant 80 : i32
        %mul3A_412 = arith.muli %add3A_410, %mul3A_411 : i32
        %dma_start3A_413 = tpu.memref_slice %arg8[%mul3A_412] : memref<5120xi32, #tpu.memory_space<vmem>> -> memref<80xi32, #tpu.memory_space<vmem>>
        %dma_start3A_414 = arith.constant 0 : i32
        %dma_start3A_415 = arith.constant 0 : i32
        %dma_start3A_416 = tpu.memref_slice %arg2[%dma_start3A_414, %dma_start3A_415] : memref<10000x128xf32, #tpu.memory_space<hbm>> -> memref<10000x128xf32, #tpu.memory_space<hbm>>
        tpu.enqueue_indirect_dma source(%dma_start3A_416 : memref<10000x128xf32, #tpu.memory_space<hbm>>) target(%arg11 : memref<80x128xf32, #tpu.memory_space<vmem>>) offsets(%dma_start3A_413 : memref<80xi32, #tpu.memory_space<vmem>>) semaphore(%arg17 : memref<!tpu.dma_semaphore, #tpu.memory_space<semaphore_mem>>)
      } else {
      }
    }
    %scan3A_163 = arith.constant 32 : i32
    "tpu.region"() ({
      %run_scoped3A = tpu.sem_alloc : memref<!tpu.dma_semaphore, #tpu.memory_space<semaphore_mem>>
      %dma_start3A_270 = arith.constant 0 : i32
      %dma_start3A_271 = arith.constant 0 : i32
      %dma_start3A_272 = tpu.memref_slice %arg15[%dma_start3A_270, %dma_start3A_271] : memref<80x128xf32, #tpu.memory_space<vmem_shared>> -> memref<80x128xf32, #tpu.memory_space<vmem_shared>>
      tpu.enqueue_indirect_dma source(%arg12 : memref<80x128xf32, #tpu.memory_space<vmem>>) target(%dma_start3A_272 : memref<80x128xf32, #tpu.memory_space<vmem_shared>>) offsets(%arg13 : memref<80xi32, #tpu.memory_space<vmem>>) semaphore(%run_scoped3A : memref<!tpu.dma_semaphore, #tpu.memory_space<semaphore_mem>>) {add = true}
      %dma_wait3A_273 = arith.constant 0 : i32
      %dma_wait3A_274 = arith.constant 0 : i32
      %dma_wait3A_275 = tpu.memref_slice %arg15[%dma_wait3A_273, %dma_wait3A_274] : memref<80x128xf32, #tpu.memory_space<vmem_shared>> -> memref<80x128xf32, #tpu.memory_space<vmem_shared>>
      tpu.wait_indirect_dma semaphore(%run_scoped3A : memref<!tpu.dma_semaphore, #tpu.memory_space<semaphore_mem>>) src(%arg12 : memref<80x128xf32, #tpu.memory_space<vmem>>) dst(%dma_wait3A_275 : memref<80x128xf32, #tpu.memory_space<vmem_shared>>)
      tpu.yield
    }) : () -> ()
    %barrier3A_164 = arith.constant 0 : index
    tpu.barrier barrier_id(%barrier3A_164)
    %add3A_165 = arith.constant 2 : i32
    %add3A_166 = arith.addi %add3A_165, %arg0 : i32
    %mul3A_167 = arith.constant 10240 : i32
    %mul3A_168 = arith.muli %add3A_166, %mul3A_167 : i32
    %add3A_169 = arith.addi %mul3A_168, %mul3A_2 : i32
    %dma_start3A_170 = arith.constant 0 : i32
    %dma_start3A_171 = tpu.memref_slice %arg6[%add3A_169, %dma_start3A_170] : memref<61440x128xf32, #tpu.memory_space<hbm>> -> memref<640x128xf32, #tpu.memory_space<hbm>>
    %dma_start3A_172 = arith.constant 0 : i32
    %dma_start3A_173 = tpu.memref_slice %arg14[%mul3A_2, %dma_start3A_172] : memref<10240x128xf32, #tpu.memory_space<vmem_shared>> -> memref<640x128xf32, #tpu.memory_space<vmem_shared>>
    tpu.enqueue_dma source(%dma_start3A_173 : memref<640x128xf32, #tpu.memory_space<vmem_shared>>) target(%dma_start3A_171 : memref<640x128xf32, #tpu.memory_space<hbm>>) target_semaphore(%arg19 : memref<!tpu.dma_semaphore, #tpu.memory_space<semaphore_mem>>)
    %eq3A_174 = arith.constant 0 : i32
    %eq3A_175 = arith.cmpi eq, %arg1, %eq3A_174 : i32
    %convert_element_type3A_176 = arith.extui %eq3A_175 : i1 to i32
    %cond3A_177 = arith.constant 0 : i32
    %cond3A_178 = arith.cmpi ne, %convert_element_type3A_176, %cond3A_177 : i32
    scf.if %cond3A_178 {
      %add3A_270 = arith.constant 2 : i32
      %add3A_271 = arith.addi %add3A_270, %arg0 : i32
      %mul3A_272 = arith.constant 80 : i32
      %mul3A_273 = arith.muli %add3A_271, %mul3A_272 : i32
      "tpu.region"() ({
        %run_scoped3A = tpu.sem_alloc : memref<!tpu.dma_semaphore, #tpu.memory_space<semaphore_mem>>
        %dma_start3A_274 = arith.constant 0 : i32
        %dma_start3A_275 = tpu.memref_slice %arg7[%mul3A_273, %dma_start3A_274] : memref<480x128xf32, #tpu.memory_space<hbm>> -> memref<80x128xf32, #tpu.memory_space<hbm>>
        tpu.enqueue_dma source(%arg15 : memref<80x128xf32, #tpu.memory_space<vmem_shared>>) target(%dma_start3A_275 : memref<80x128xf32, #tpu.memory_space<hbm>>) target_semaphore(%run_scoped3A : memref<!tpu.dma_semaphore, #tpu.memory_space<semaphore_mem>>)
        %dma_wait3A_276 = arith.constant 0 : i32
        %dma_wait3A_277 = tpu.memref_slice %arg7[%mul3A_273, %dma_wait3A_276] : memref<480x128xf32, #tpu.memory_space<hbm>> -> memref<80x128xf32, #tpu.memory_space<hbm>>
        tpu.wait_dma2 semaphore(%run_scoped3A : memref<!tpu.dma_semaphore, #tpu.memory_space<semaphore_mem>>) src(%arg15 : memref<80x128xf32, #tpu.memory_space<vmem_shared>>) dst(%dma_wait3A_277 : memref<80x128xf32, #tpu.memory_space<hbm>>)
        tpu.yield
      }) : () -> ()
    } else {
    }
    %add3A_179 = arith.constant 64 : i32
    %add3A_180 = arith.addi %add3A_179, %add3A : i32
    %mul3A_181 = arith.constant 5120 : i32
    %mul3A_182 = arith.muli %add3A_180, %mul3A_181 : i32
    %dma_start3A_183 = tpu.memref_slice %arg4[%mul3A_182] : memref<491520xi32, #tpu.memory_space<hbm>> -> memref<5120xi32, #tpu.memory_space<hbm>>
    %dma_start3A_184 = tpu.memref_slice %arg4[%mul3A_182] : memref<491520xi32, #tpu.memory_space<hbm>> -> memref<5120xi32, #tpu.memory_space<hbm>>
    tpu.enqueue_dma source(%dma_start3A_184 : memref<5120xi32, #tpu.memory_space<hbm>>) target(%arg8 : memref<5120xi32, #tpu.memory_space<vmem>>) target_semaphore(%arg16 : memref<!tpu.dma_semaphore, #tpu.memory_space<semaphore_mem>>)
    %mul3A_185 = arith.constant 64 : i32
    %mul3A_186 = arith.muli %add3A_180, %mul3A_185 : i32
    %dma_start3A_187 = arith.constant 0 : i32
    %dma_start3A_188 = arith.constant 0 : i32
    %dma_start3A_189 = tpu.memref_slice %arg5[%mul3A_186, %dma_start3A_187, %dma_start3A_188] : memref<6144x1x80xi32, #tpu.memory_space<hbm>> -> memref<64x1x80xi32, #tpu.memory_space<hbm>>
    %dma_start3A_190 = arith.constant 0 : i32
    %dma_start3A_191 = arith.constant 0 : i32
    %dma_start3A_192 = tpu.memref_slice %arg5[%mul3A_186, %dma_start3A_190, %dma_start3A_191] : memref<6144x1x80xi32, #tpu.memory_space<hbm>> -> memref<64x1x80xi32, #tpu.memory_space<hbm>>
    tpu.enqueue_dma source(%dma_start3A_192 : memref<64x1x80xi32, #tpu.memory_space<hbm>>) target(%arg9 : memref<64x1x80xi32, #tpu.memory_space<vmem>>) target_semaphore(%arg17 : memref<!tpu.dma_semaphore, #tpu.memory_space<semaphore_mem>>)
    %add3A_193 = arith.constant 2 : i32
    %add3A_194 = arith.addi %add3A_193, %arg0 : i32
    %mul3A_195 = arith.constant 10240 : i32
    %mul3A_196 = arith.muli %add3A_194, %mul3A_195 : i32
    %add3A_197 = arith.addi %mul3A_196, %mul3A_2 : i32
    %dma_wait3A_198 = arith.constant 0 : i32
    %dma_wait3A_199 = tpu.memref_slice %arg6[%add3A_197, %dma_wait3A_198] : memref<61440x128xf32, #tpu.memory_space<hbm>> -> memref<640x128xf32, #tpu.memory_space<hbm>>
    %dma_wait3A_200 = arith.constant 0 : i32
    %dma_wait3A_201 = tpu.memref_slice %arg14[%mul3A_2, %dma_wait3A_200] : memref<10240x128xf32, #tpu.memory_space<vmem_shared>> -> memref<640x128xf32, #tpu.memory_space<vmem_shared>>
    tpu.wait_dma2 semaphore(%arg19 : memref<!tpu.dma_semaphore, #tpu.memory_space<semaphore_mem>>) src(%dma_wait3A_201 : memref<640x128xf32, #tpu.memory_space<vmem_shared>>) dst(%dma_wait3A_199 : memref<640x128xf32, #tpu.memory_space<hbm>>)
    %dma_start3A_202 = arith.constant 0 : i32
    %dma_start3A_203 = tpu.memref_slice %arg14[%mul3A_2, %dma_start3A_202] : memref<10240x128xf32, #tpu.memory_space<vmem_shared>> -> memref<640x128xf32, #tpu.memory_space<vmem_shared>>
    tpu.enqueue_dma source(%arg3 : memref<640x128xf32, #tpu.memory_space<hbm>>) target(%dma_start3A_203 : memref<640x128xf32, #tpu.memory_space<vmem_shared>>) target_semaphore(%arg18 : memref<!tpu.dma_semaphore, #tpu.memory_space<semaphore_mem>>)
    %eq3A_204 = arith.constant 0 : i32
    %eq3A_205 = arith.cmpi eq, %arg1, %eq3A_204 : i32
    %convert_element_type3A_206 = arith.extui %eq3A_205 : i1 to i32
    %cond3A_207 = arith.constant 0 : i32
    %cond3A_208 = arith.cmpi ne, %convert_element_type3A_206, %cond3A_207 : i32
    scf.if %cond3A_208 {
      "tpu.region"() ({
        %run_scoped3A = tpu.sem_alloc : memref<!tpu.dma_semaphore, #tpu.memory_space<semaphore_mem>>
        %dma_start3A_270 = arith.constant 0 : i32
        %dma_start3A_271 = arith.constant 0 : i32
        %dma_start3A_272 = tpu.memref_slice %arg3[%dma_start3A_270, %dma_start3A_271] : memref<640x128xf32, #tpu.memory_space<hbm>> -> memref<80x128xf32, #tpu.memory_space<hbm>>
        tpu.enqueue_dma source(%dma_start3A_272 : memref<80x128xf32, #tpu.memory_space<hbm>>) target(%arg15 : memref<80x128xf32, #tpu.memory_space<vmem_shared>>) target_semaphore(%run_scoped3A : memref<!tpu.dma_semaphore, #tpu.memory_space<semaphore_mem>>)
        %dma_wait3A_273 = arith.constant 0 : i32
        %dma_wait3A_274 = arith.constant 0 : i32
        %dma_wait3A_275 = tpu.memref_slice %arg3[%dma_wait3A_273, %dma_wait3A_274] : memref<640x128xf32, #tpu.memory_space<hbm>> -> memref<80x128xf32, #tpu.memory_space<hbm>>
        tpu.wait_dma2 semaphore(%run_scoped3A : memref<!tpu.dma_semaphore, #tpu.memory_space<semaphore_mem>>) src(%dma_wait3A_275 : memref<80x128xf32, #tpu.memory_space<hbm>>) dst(%arg15 : memref<80x128xf32, #tpu.memory_space<vmem_shared>>)
        tpu.yield
      }) : () -> ()
    } else {
    }
    %scan3A_209 = arith.constant 0 : i32
    %scan3A_210 = arith.constant 0 : i32
    %scan3A_211 = arith.constant 80 : i32
    %scan3A_212 = arith.addi %scan3A_210, %scan3A_211 : i32
    %scan3A_213 = arith.constant 1 : i32
    scf.for %scan3A_270 = %scan3A_210 to %scan3A_212 step %scan3A_213  : i32 {
      %broadcast_in_dim3A = arith.constant 0.000000e+00 : f32
      %broadcast_in_dim3A_271 = vector.broadcast %broadcast_in_dim3A : f32 to vector<16xf32>
      %swap3A_272 = arith.index_cast %scan3A_270 : i32 to index
      %swap3A_273 = arith.constant 0 : index
      %swap3A_274 = tpu.vector_load %arg12[%swap3A_272, %swap3A_273] {strides = array<i32>} : memref<80x128xf32, #tpu.memory_space<vmem>>, vector<16xf32>,
      tpu.vector_store %arg12[%swap3A_272, %swap3A_273], %broadcast_in_dim3A_271 {strides = array<i32>} : memref<80x128xf32, #tpu.memory_space<vmem>>, vector<16xf32>,
      %broadcast_in_dim3A_275 = arith.constant 0.000000e+00 : f32
      %broadcast_in_dim3A_276 = vector.broadcast %broadcast_in_dim3A_275 : f32 to vector<16xf32>
      %swap3A_277 = arith.index_cast %scan3A_270 : i32 to index
      %swap3A_278 = arith.constant 16 : index
      %swap3A_279 = tpu.vector_load %arg12[%swap3A_277, %swap3A_278] {strides = array<i32>} : memref<80x128xf32, #tpu.memory_space<vmem>>, vector<16xf32>,
      tpu.vector_store %arg12[%swap3A_277, %swap3A_278], %broadcast_in_dim3A_276 {strides = array<i32>} : memref<80x128xf32, #tpu.memory_space<vmem>>, vector<16xf32>,
      %broadcast_in_dim3A_280 = arith.constant 0.000000e+00 : f32
      %broadcast_in_dim3A_281 = vector.broadcast %broadcast_in_dim3A_280 : f32 to vector<16xf32>
      %swap3A_282 = arith.index_cast %scan3A_270 : i32 to index
      %swap3A_283 = arith.constant 32 : index
      %swap3A_284 = tpu.vector_load %arg12[%swap3A_282, %swap3A_283] {strides = array<i32>} : memref<80x128xf32, #tpu.memory_space<vmem>>, vector<16xf32>,
      tpu.vector_store %arg12[%swap3A_282, %swap3A_283], %broadcast_in_dim3A_281 {strides = array<i32>} : memref<80x128xf32, #tpu.memory_space<vmem>>, vector<16xf32>,
      %broadcast_in_dim3A_285 = arith.constant 0.000000e+00 : f32
      %broadcast_in_dim3A_286 = vector.broadcast %broadcast_in_dim3A_285 : f32 to vector<16xf32>
      %swap3A_287 = arith.index_cast %scan3A_270 : i32 to index
      %swap3A_288 = arith.constant 48 : index
      %swap3A_289 = tpu.vector_load %arg12[%swap3A_287, %swap3A_288] {strides = array<i32>} : memref<80x128xf32, #tpu.memory_space<vmem>>, vector<16xf32>,
      tpu.vector_store %arg12[%swap3A_287, %swap3A_288], %broadcast_in_dim3A_286 {strides = array<i32>} : memref<80x128xf32, #tpu.memory_space<vmem>>, vector<16xf32>,
      %broadcast_in_dim3A_290 = arith.constant 0.000000e+00 : f32
      %broadcast_in_dim3A_291 = vector.broadcast %broadcast_in_dim3A_290 : f32 to vector<16xf32>
      %swap3A_292 = arith.index_cast %scan3A_270 : i32 to index
      %swap3A_293 = arith.constant 64 : index
      %swap3A_294 = tpu.vector_load %arg12[%swap3A_292, %swap3A_293] {strides = array<i32>} : memref<80x128xf32, #tpu.memory_space<vmem>>, vector<16xf32>,
      tpu.vector_store %arg12[%swap3A_292, %swap3A_293], %broadcast_in_dim3A_291 {strides = array<i32>} : memref<80x128xf32, #tpu.memory_space<vmem>>, vector<16xf32>,
      %broadcast_in_dim3A_295 = arith.constant 0.000000e+00 : f32
      %broadcast_in_dim3A_296 = vector.broadcast %broadcast_in_dim3A_295 : f32 to vector<16xf32>
      %swap3A_297 = arith.index_cast %scan3A_270 : i32 to index
      %swap3A_298 = arith.constant 80 : index
      %swap3A_299 = tpu.vector_load %arg12[%swap3A_297, %swap3A_298] {strides = array<i32>} : memref<80x128xf32, #tpu.memory_space<vmem>>, vector<16xf32>,
      tpu.vector_store %arg12[%swap3A_297, %swap3A_298], %broadcast_in_dim3A_296 {strides = array<i32>} : memref<80x128xf32, #tpu.memory_space<vmem>>, vector<16xf32>,
      %broadcast_in_dim3A_300 = arith.constant 0.000000e+00 : f32
      %broadcast_in_dim3A_301 = vector.broadcast %broadcast_in_dim3A_300 : f32 to vector<16xf32>
      %swap3A_302 = arith.index_cast %scan3A_270 : i32 to index
      %swap3A_303 = arith.constant 96 : index
      %swap3A_304 = tpu.vector_load %arg12[%swap3A_302, %swap3A_303] {strides = array<i32>} : memref<80x128xf32, #tpu.memory_space<vmem>>, vector<16xf32>,
      tpu.vector_store %arg12[%swap3A_302, %swap3A_303], %broadcast_in_dim3A_301 {strides = array<i32>} : memref<80x128xf32, #tpu.memory_space<vmem>>, vector<16xf32>,
      %broadcast_in_dim3A_305 = arith.constant 0.000000e+00 : f32
      %broadcast_in_dim3A_306 = vector.broadcast %broadcast_in_dim3A_305 : f32 to vector<16xf32>
      %swap3A_307 = arith.index_cast %scan3A_270 : i32 to index
      %swap3A_308 = arith.constant 112 : index
      %swap3A_309 = tpu.vector_load %arg12[%swap3A_307, %swap3A_308] {strides = array<i32>} : memref<80x128xf32, #tpu.memory_space<vmem>>, vector<16xf32>,
      tpu.vector_store %arg12[%swap3A_307, %swap3A_308], %broadcast_in_dim3A_306 {strides = array<i32>} : memref<80x128xf32, #tpu.memory_space<vmem>>, vector<16xf32>,
    }
    %scan3A_214 = arith.constant 80 : i32
    %mul3A_215 = arith.constant 5120 : i32
    %mul3A_216 = arith.muli %add3A_180, %mul3A_215 : i32
    %dma_wait3A_217 = tpu.memref_slice %arg4[%mul3A_216] : memref<491520xi32, #tpu.memory_space<hbm>> -> memref<5120xi32, #tpu.memory_space<hbm>>
    %dma_wait3A_218 = tpu.memref_slice %arg4[%mul3A_216] : memref<491520xi32, #tpu.memory_space<hbm>> -> memref<5120xi32, #tpu.memory_space<hbm>>
    tpu.wait_dma2 semaphore(%arg16 : memref<!tpu.dma_semaphore, #tpu.memory_space<semaphore_mem>>) src(%dma_wait3A_218 : memref<5120xi32, #tpu.memory_space<hbm>>) dst(%arg8 : memref<5120xi32, #tpu.memory_space<vmem>>)
    %dma_start3A_219 = arith.constant 0 : i32
    %dma_start3A_220 = tpu.memref_slice %arg8[%dma_start3A_219] : memref<5120xi32, #tpu.memory_space<vmem>> -> memref<80xi32, #tpu.memory_space<vmem>>
    %dma_start3A_221 = arith.constant 0 : i32
    %dma_start3A_222 = arith.constant 0 : i32
    %dma_start3A_223 = tpu.memref_slice %arg2[%dma_start3A_221, %dma_start3A_222] : memref<10000x128xf32, #tpu.memory_space<hbm>> -> memref<10000x128xf32, #tpu.memory_space<hbm>>
    tpu.enqueue_indirect_dma source(%dma_start3A_223 : memref<10000x128xf32, #tpu.memory_space<hbm>>) target(%arg10 : memref<80x128xf32, #tpu.memory_space<vmem>>) offsets(%dma_start3A_220 : memref<80xi32, #tpu.memory_space<vmem>>) semaphore(%arg16 : memref<!tpu.dma_semaphore, #tpu.memory_space<semaphore_mem>>)
    %mul3A_224 = arith.constant 64 : i32
    %mul3A_225 = arith.muli %add3A_180, %mul3A_224 : i32
    %dma_wait3A_226 = arith.constant 0 : i32
    %dma_wait3A_227 = arith.constant 0 : i32
    %dma_wait3A_228 = tpu.memref_slice %arg5[%mul3A_225, %dma_wait3A_226, %dma_wait3A_227] : memref<6144x1x80xi32, #tpu.memory_space<hbm>> -> memref<64x1x80xi32, #tpu.memory_space<hbm>>
    %dma_wait3A_229 = arith.constant 0 : i32
    %dma_wait3A_230 = arith.constant 0 : i32
    %dma_wait3A_231 = tpu.memref_slice %arg5[%mul3A_225, %dma_wait3A_229, %dma_wait3A_230] : memref<6144x1x80xi32, #tpu.memory_space<hbm>> -> memref<64x1x80xi32, #tpu.memory_space<hbm>>
    tpu.wait_dma2 semaphore(%arg17 : memref<!tpu.dma_semaphore, #tpu.memory_space<semaphore_mem>>) src(%dma_wait3A_231 : memref<64x1x80xi32, #tpu.memory_space<hbm>>) dst(%arg9 : memref<64x1x80xi32, #tpu.memory_space<vmem>>)
    %dma_start3A_232 = arith.constant 80 : i32
    %dma_start3A_233 = tpu.memref_slice %arg8[%dma_start3A_232] : memref<5120xi32, #tpu.memory_space<vmem>> -> memref<80xi32, #tpu.memory_space<vmem>>
    %dma_start3A_234 = arith.constant 0 : i32
    %dma_start3A_235 = arith.constant 0 : i32
    %dma_start3A_236 = tpu.memref_slice %arg2[%dma_start3A_234, %dma_start3A_235] : memref<10000x128xf32, #tpu.memory_space<hbm>> -> memref<10000x128xf32, #tpu.memory_space<hbm>>
    tpu.enqueue_indirect_dma source(%dma_start3A_236 : memref<10000x128xf32, #tpu.memory_space<hbm>>) target(%arg11 : memref<80x128xf32, #tpu.memory_space<vmem>>) offsets(%dma_start3A_233 : memref<80xi32, #tpu.memory_space<vmem>>) semaphore(%arg17 : memref<!tpu.dma_semaphore, #tpu.memory_space<semaphore_mem>>)
    %dma_wait3A_237 = arith.constant 0 : i32
    %dma_wait3A_238 = tpu.memref_slice %arg14[%mul3A_2, %dma_wait3A_237] : memref<10240x128xf32, #tpu.memory_space<vmem_shared>> -> memref<640x128xf32, #tpu.memory_space<vmem_shared>>
    tpu.wait_dma2 semaphore(%arg18 : memref<!tpu.dma_semaphore, #tpu.memory_space<semaphore_mem>>) src(%arg3 : memref<640x128xf32, #tpu.memory_space<hbm>>) dst(%dma_wait3A_238 : memref<640x128xf32, #tpu.memory_space<vmem_shared>>)
    %barrier3A_239 = arith.constant 0 : index
    tpu.barrier barrier_id(%barrier3A_239)
    %scan3A_240 = arith.constant 0 : i32
    %scan3A_241 = arith.constant 0 : i32
    %scan3A_242 = arith.constant 32 : i32
    %scan3A_243 = arith.addi %scan3A_241, %scan3A_242 : i32
    %scan3A_244 = arith.constant 1 : i32
    scf.for %scan3A_270 = %scan3A_241 to %scan3A_243 step %scan3A_244  : i32 {
      %mul3A_271 = arith.constant 2 : i32
      %mul3A_272 = arith.muli %mul3A_271, %scan3A_270 : i32
      %add3A_273 = arith.constant 1 : i32
      %add3A_274 = arith.addi %mul3A_272, %add3A_273 : i32
      %broadcast_in_dim3A = arith.constant 1.000000e+00 : f32
      %broadcast_in_dim3A_275 = vector.broadcast %broadcast_in_dim3A : f32 to vector<16xf32>
      %get3A = arith.constant 0 : i32
      %get3A_276 = arith.index_cast %mul3A_272 : i32 to index
      %get3A_277 = arith.index_cast %get3A : i32 to index
      %get3A_278 = arith.constant 0 : index
      %get3A_279 = tpu.vector_load %arg9[%get3A_276, %get3A_277, %get3A_278] {strides = array<i32>} : memref<64x1x80xi32, #tpu.memory_space<vmem>>, vector<16xi32>,
      %shift_right_logical3A = arith.constant 7 : i32
      %shift_right_logical3A_280 = vector.broadcast %shift_right_logical3A : i32 to vector<16xi32>
      %shift_right_logical3A_281 = arith.shrui %get3A_279, %shift_right_logical3A_280 : vector<16xi32>
      %and3A = arith.constant 127 : i32
      %and3A_282 = vector.broadcast %and3A : i32 to vector<16xi32>
      %and3A_283 = arith.andi %get3A_279, %and3A_282 : vector<16xi32>
      tpu.vector_store_idx %arg12[%shift_right_logical3A_281, %and3A_283], %broadcast_in_dim3A_275 {add = true} : memref<80x128xf32, #tpu.memory_space<vmem>>[vector<16xi32>, vector<16xi32>], vector<16xf32>,
      %get3A_284 = arith.constant 0 : i32
      %get3A_285 = arith.index_cast %mul3A_272 : i32 to index
      %get3A_286 = arith.index_cast %get3A_284 : i32 to index
      %get3A_287 = arith.constant 16 : index
      %get3A_288 = tpu.vector_load %arg9[%get3A_285, %get3A_286, %get3A_287] {strides = array<i32>} : memref<64x1x80xi32, #tpu.memory_space<vmem>>, vector<16xi32>,
      %shift_right_logical3A_289 = arith.constant 7 : i32
      %shift_right_logical3A_290 = vector.broadcast %shift_right_logical3A_289 : i32 to vector<16xi32>
      %shift_right_logical3A_291 = arith.shrui %get3A_288, %shift_right_logical3A_290 : vector<16xi32>
      %and3A_292 = arith.constant 127 : i32
      %and3A_293 = vector.broadcast %and3A_292 : i32 to vector<16xi32>
      %and3A_294 = arith.andi %get3A_288, %and3A_293 : vector<16xi32>
      tpu.vector_store_idx %arg12[%shift_right_logical3A_291, %and3A_294], %broadcast_in_dim3A_275 {add = true} : memref<80x128xf32, #tpu.memory_space<vmem>>[vector<16xi32>, vector<16xi32>], vector<16xf32>,
      %get3A_295 = arith.constant 0 : i32
      %get3A_296 = arith.index_cast %mul3A_272 : i32 to index
      %get3A_297 = arith.index_cast %get3A_295 : i32 to index
      %get3A_298 = arith.constant 32 : index
      %get3A_299 = tpu.vector_load %arg9[%get3A_296, %get3A_297, %get3A_298] {strides = array<i32>} : memref<64x1x80xi32, #tpu.memory_space<vmem>>, vector<16xi32>,
      %shift_right_logical3A_300 = arith.constant 7 : i32
      %shift_right_logical3A_301 = vector.broadcast %shift_right_logical3A_300 : i32 to vector<16xi32>
      %shift_right_logical3A_302 = arith.shrui %get3A_299, %shift_right_logical3A_301 : vector<16xi32>
      %and3A_303 = arith.constant 127 : i32
      %and3A_304 = vector.broadcast %and3A_303 : i32 to vector<16xi32>
      %and3A_305 = arith.andi %get3A_299, %and3A_304 : vector<16xi32>
      tpu.vector_store_idx %arg12[%shift_right_logical3A_302, %and3A_305], %broadcast_in_dim3A_275 {add = true} : memref<80x128xf32, #tpu.memory_space<vmem>>[vector<16xi32>, vector<16xi32>], vector<16xf32>,
      %get3A_306 = arith.constant 0 : i32
      %get3A_307 = arith.index_cast %mul3A_272 : i32 to index
      %get3A_308 = arith.index_cast %get3A_306 : i32 to index
      %get3A_309 = arith.constant 48 : index
      %get3A_310 = tpu.vector_load %arg9[%get3A_307, %get3A_308, %get3A_309] {strides = array<i32>} : memref<64x1x80xi32, #tpu.memory_space<vmem>>, vector<16xi32>,
      %shift_right_logical3A_311 = arith.constant 7 : i32
      %shift_right_logical3A_312 = vector.broadcast %shift_right_logical3A_311 : i32 to vector<16xi32>
      %shift_right_logical3A_313 = arith.shrui %get3A_310, %shift_right_logical3A_312 : vector<16xi32>
      %and3A_314 = arith.constant 127 : i32
      %and3A_315 = vector.broadcast %and3A_314 : i32 to vector<16xi32>
      %and3A_316 = arith.andi %get3A_310, %and3A_315 : vector<16xi32>
      tpu.vector_store_idx %arg12[%shift_right_logical3A_313, %and3A_316], %broadcast_in_dim3A_275 {add = true} : memref<80x128xf32, #tpu.memory_space<vmem>>[vector<16xi32>, vector<16xi32>], vector<16xf32>,
      %get3A_317 = arith.constant 0 : i32
      %get3A_318 = arith.index_cast %mul3A_272 : i32 to index
      %get3A_319 = arith.index_cast %get3A_317 : i32 to index
      %get3A_320 = arith.constant 64 : index
      %get3A_321 = tpu.vector_load %arg9[%get3A_318, %get3A_319, %get3A_320] {strides = array<i32>} : memref<64x1x80xi32, #tpu.memory_space<vmem>>, vector<16xi32>,
      %shift_right_logical3A_322 = arith.constant 7 : i32
      %shift_right_logical3A_323 = vector.broadcast %shift_right_logical3A_322 : i32 to vector<16xi32>
      %shift_right_logical3A_324 = arith.shrui %get3A_321, %shift_right_logical3A_323 : vector<16xi32>
      %and3A_325 = arith.constant 127 : i32
      %and3A_326 = vector.broadcast %and3A_325 : i32 to vector<16xi32>
      %and3A_327 = arith.andi %get3A_321, %and3A_326 : vector<16xi32>
      tpu.vector_store_idx %arg12[%shift_right_logical3A_324, %and3A_327], %broadcast_in_dim3A_275 {add = true} : memref<80x128xf32, #tpu.memory_space<vmem>>[vector<16xi32>, vector<16xi32>], vector<16xf32>,
      %dma_wait3A_328 = arith.constant 0 : i32
      %dma_wait3A_329 = tpu.memref_slice %arg8[%dma_wait3A_328] : memref<5120xi32, #tpu.memory_space<vmem>> -> memref<80xi32, #tpu.memory_space<vmem>>
      %dma_wait3A_330 = arith.constant 0 : i32
      %dma_wait3A_331 = arith.constant 0 : i32
      %dma_wait3A_332 = tpu.memref_slice %arg2[%dma_wait3A_330, %dma_wait3A_331] : memref<10000x128xf32, #tpu.memory_space<hbm>> -> memref<10000x128xf32, #tpu.memory_space<hbm>>
      tpu.wait_indirect_dma semaphore(%arg16 : memref<!tpu.dma_semaphore, #tpu.memory_space<semaphore_mem>>) src(%dma_wait3A_332 : memref<10000x128xf32, #tpu.memory_space<hbm>>) dst(%arg10 : memref<80x128xf32, #tpu.memory_space<vmem>>)
      %run_scoped3A = arith.constant 0 : i32
      "tpu.region"() ({
        %run_scoped3A_409 = tpu.sem_alloc : memref<!tpu.dma_semaphore, #tpu.memory_space<semaphore_mem>>
        %dma_start3A_410 = arith.constant 0 : i32
        %dma_start3A_411 = tpu.memref_slice %arg9[%mul3A_272, %run_scoped3A, %dma_start3A_410] : memref<64x1x80xi32, #tpu.memory_space<vmem>> -> memref<1x1x80xi32, #tpu.memory_space<vmem>>
        %dma_start3A_412 = tpu.memref_squeeze %dma_start3A_411 : memref<1x1x80xi32, #tpu.memory_space<vmem>> -> memref<80xi32, #tpu.memory_space<vmem>>
        %dma_start3A_413 = arith.constant 0 : i32
        %dma_start3A_414 = arith.constant 0 : i32
        %dma_start3A_415 = tpu.memref_slice %arg14[%dma_start3A_413, %dma_start3A_414] : memref<10240x128xf32, #tpu.memory_space<vmem_shared>> -> memref<10240x128xf32, #tpu.memory_space<vmem_shared>>
        tpu.enqueue_indirect_dma source(%arg10 : memref<80x128xf32, #tpu.memory_space<vmem>>) target(%dma_start3A_415 : memref<10240x128xf32, #tpu.memory_space<vmem_shared>>) offsets(%dma_start3A_412 : memref<80xi32, #tpu.memory_space<vmem>>) semaphore(%run_scoped3A_409 : memref<!tpu.dma_semaphore, #tpu.memory_space<semaphore_mem>>) {add = true}
        %dma_wait3A_416 = arith.constant 0 : i32
        %dma_wait3A_417 = tpu.memref_slice %arg9[%mul3A_272, %run_scoped3A, %dma_wait3A_416] : memref<64x1x80xi32, #tpu.memory_space<vmem>> -> memref<1x1x80xi32, #tpu.memory_space<vmem>>
        %dma_wait3A_418 = tpu.memref_squeeze %dma_wait3A_417 : memref<1x1x80xi32, #tpu.memory_space<vmem>> -> memref<80xi32, #tpu.memory_space<vmem>>
        %dma_wait3A_419 = arith.constant 0 : i32
        %dma_wait3A_420 = arith.constant 0 : i32
        %dma_wait3A_421 = tpu.memref_slice %arg14[%dma_wait3A_419, %dma_wait3A_420] : memref<10240x128xf32, #tpu.memory_space<vmem_shared>> -> memref<10240x128xf32, #tpu.memory_space<vmem_shared>>
        tpu.wait_indirect_dma semaphore(%run_scoped3A_409 : memref<!tpu.dma_semaphore, #tpu.memory_space<semaphore_mem>>) src(%arg10 : memref<80x128xf32, #tpu.memory_space<vmem>>) dst(%dma_wait3A_421 : memref<10240x128xf32, #tpu.memory_space<vmem_shared>>)
        tpu.yield
      }) : () -> ()
      %add3A_333 = arith.constant 2 : i32
      %add3A_334 = arith.addi %mul3A_272, %add3A_333 : i32
      %lt3A = arith.constant 64 : i32
      %lt3A_335 = arith.cmpi slt, %add3A_334, %lt3A : i32
      %convert_element_type3A_336 = arith.extui %lt3A_335 : i1 to i32
      %cond3A_337 = arith.constant 0 : i32
      %cond3A_338 = arith.cmpi ne, %convert_element_type3A_336, %cond3A_337 : i32
      scf.if %cond3A_338 {
        %add3A_409 = arith.constant 2 : i32
        %add3A_410 = arith.addi %mul3A_272, %add3A_409 : i32
        %mul3A_411 = arith.constant 80 : i32
        %mul3A_412 = arith.muli %add3A_410, %mul3A_411 : i32
        %dma_start3A_413 = tpu.memref_slice %arg8[%mul3A_412] : memref<5120xi32, #tpu.memory_space<vmem>> -> memref<80xi32, #tpu.memory_space<vmem>>
        %dma_start3A_414 = arith.constant 0 : i32
        %dma_start3A_415 = arith.constant 0 : i32
        %dma_start3A_416 = tpu.memref_slice %arg2[%dma_start3A_414, %dma_start3A_415] : memref<10000x128xf32, #tpu.memory_space<hbm>> -> memref<10000x128xf32, #tpu.memory_space<hbm>>
        tpu.enqueue_indirect_dma source(%dma_start3A_416 : memref<10000x128xf32, #tpu.memory_space<hbm>>) target(%arg10 : memref<80x128xf32, #tpu.memory_space<vmem>>) offsets(%dma_start3A_413 : memref<80xi32, #tpu.memory_space<vmem>>) semaphore(%arg16 : memref<!tpu.dma_semaphore, #tpu.memory_space<semaphore_mem>>)
      } else {
      }
      %broadcast_in_dim3A_339 = arith.constant 1.000000e+00 : f32
      %broadcast_in_dim3A_340 = vector.broadcast %broadcast_in_dim3A_339 : f32 to vector<16xf32>
      %get3A_341 = arith.constant 0 : i32
      %get3A_342 = arith.index_cast %add3A_274 : i32 to index
      %get3A_343 = arith.index_cast %get3A_341 : i32 to index
      %get3A_344 = arith.constant 0 : index
      %get3A_345 = tpu.vector_load %arg9[%get3A_342, %get3A_343, %get3A_344] {strides = array<i32>} : memref<64x1x80xi32, #tpu.memory_space<vmem>>, vector<16xi32>,
      %shift_right_logical3A_346 = arith.constant 7 : i32
      %shift_right_logical3A_347 = vector.broadcast %shift_right_logical3A_346 : i32 to vector<16xi32>
      %shift_right_logical3A_348 = arith.shrui %get3A_345, %shift_right_logical3A_347 : vector<16xi32>
      %and3A_349 = arith.constant 127 : i32
      %and3A_350 = vector.broadcast %and3A_349 : i32 to vector<16xi32>
      %and3A_351 = arith.andi %get3A_345, %and3A_350 : vector<16xi32>
      tpu.vector_store_idx %arg12[%shift_right_logical3A_348, %and3A_351], %broadcast_in_dim3A_340 {add = true} : memref<80x128xf32, #tpu.memory_space<vmem>>[vector<16xi32>, vector<16xi32>], vector<16xf32>,
      %get3A_352 = arith.constant 0 : i32
      %get3A_353 = arith.index_cast %add3A_274 : i32 to index
      %get3A_354 = arith.index_cast %get3A_352 : i32 to index
      %get3A_355 = arith.constant 16 : index
      %get3A_356 = tpu.vector_load %arg9[%get3A_353, %get3A_354, %get3A_355] {strides = array<i32>} : memref<64x1x80xi32, #tpu.memory_space<vmem>>, vector<16xi32>,
      %shift_right_logical3A_357 = arith.constant 7 : i32
      %shift_right_logical3A_358 = vector.broadcast %shift_right_logical3A_357 : i32 to vector<16xi32>
      %shift_right_logical3A_359 = arith.shrui %get3A_356, %shift_right_logical3A_358 : vector<16xi32>
      %and3A_360 = arith.constant 127 : i32
      %and3A_361 = vector.broadcast %and3A_360 : i32 to vector<16xi32>
      %and3A_362 = arith.andi %get3A_356, %and3A_361 : vector<16xi32>
      tpu.vector_store_idx %arg12[%shift_right_logical3A_359, %and3A_362], %broadcast_in_dim3A_340 {add = true} : memref<80x128xf32, #tpu.memory_space<vmem>>[vector<16xi32>, vector<16xi32>], vector<16xf32>,
      %get3A_363 = arith.constant 0 : i32
      %get3A_364 = arith.index_cast %add3A_274 : i32 to index
      %get3A_365 = arith.index_cast %get3A_363 : i32 to index
      %get3A_366 = arith.constant 32 : index
      %get3A_367 = tpu.vector_load %arg9[%get3A_364, %get3A_365, %get3A_366] {strides = array<i32>} : memref<64x1x80xi32, #tpu.memory_space<vmem>>, vector<16xi32>,
      %shift_right_logical3A_368 = arith.constant 7 : i32
      %shift_right_logical3A_369 = vector.broadcast %shift_right_logical3A_368 : i32 to vector<16xi32>
      %shift_right_logical3A_370 = arith.shrui %get3A_367, %shift_right_logical3A_369 : vector<16xi32>
      %and3A_371 = arith.constant 127 : i32
      %and3A_372 = vector.broadcast %and3A_371 : i32 to vector<16xi32>
      %and3A_373 = arith.andi %get3A_367, %and3A_372 : vector<16xi32>
      tpu.vector_store_idx %arg12[%shift_right_logical3A_370, %and3A_373], %broadcast_in_dim3A_340 {add = true} : memref<80x128xf32, #tpu.memory_space<vmem>>[vector<16xi32>, vector<16xi32>], vector<16xf32>,
      %get3A_374 = arith.constant 0 : i32
      %get3A_375 = arith.index_cast %add3A_274 : i32 to index
      %get3A_376 = arith.index_cast %get3A_374 : i32 to index
      %get3A_377 = arith.constant 48 : index
      %get3A_378 = tpu.vector_load %arg9[%get3A_375, %get3A_376, %get3A_377] {strides = array<i32>} : memref<64x1x80xi32, #tpu.memory_space<vmem>>, vector<16xi32>,
      %shift_right_logical3A_379 = arith.constant 7 : i32
      %shift_right_logical3A_380 = vector.broadcast %shift_right_logical3A_379 : i32 to vector<16xi32>
      %shift_right_logical3A_381 = arith.shrui %get3A_378, %shift_right_logical3A_380 : vector<16xi32>
      %and3A_382 = arith.constant 127 : i32
      %and3A_383 = vector.broadcast %and3A_382 : i32 to vector<16xi32>
      %and3A_384 = arith.andi %get3A_378, %and3A_383 : vector<16xi32>
      tpu.vector_store_idx %arg12[%shift_right_logical3A_381, %and3A_384], %broadcast_in_dim3A_340 {add = true} : memref<80x128xf32, #tpu.memory_space<vmem>>[vector<16xi32>, vector<16xi32>], vector<16xf32>,
      %get3A_385 = arith.constant 0 : i32
      %get3A_386 = arith.index_cast %add3A_274 : i32 to index
      %get3A_387 = arith.index_cast %get3A_385 : i32 to index
      %get3A_388 = arith.constant 64 : index
      %get3A_389 = tpu.vector_load %arg9[%get3A_386, %get3A_387, %get3A_388] {strides = array<i32>} : memref<64x1x80xi32, #tpu.memory_space<vmem>>, vector<16xi32>,
      %shift_right_logical3A_390 = arith.constant 7 : i32
      %shift_right_logical3A_391 = vector.broadcast %shift_right_logical3A_390 : i32 to vector<16xi32>
      %shift_right_logical3A_392 = arith.shrui %get3A_389, %shift_right_logical3A_391 : vector<16xi32>
      %and3A_393 = arith.constant 127 : i32
      %and3A_394 = vector.broadcast %and3A_393 : i32 to vector<16xi32>
      %and3A_395 = arith.andi %get3A_389, %and3A_394 : vector<16xi32>
      tpu.vector_store_idx %arg12[%shift_right_logical3A_392, %and3A_395], %broadcast_in_dim3A_340 {add = true} : memref<80x128xf32, #tpu.memory_space<vmem>>[vector<16xi32>, vector<16xi32>], vector<16xf32>,
      %dma_wait3A_396 = arith.constant 80 : i32
      %dma_wait3A_397 = tpu.memref_slice %arg8[%dma_wait3A_396] : memref<5120xi32, #tpu.memory_space<vmem>> -> memref<80xi32, #tpu.memory_space<vmem>>
      %dma_wait3A_398 = arith.constant 0 : i32
      %dma_wait3A_399 = arith.constant 0 : i32
      %dma_wait3A_400 = tpu.memref_slice %arg2[%dma_wait3A_398, %dma_wait3A_399] : memref<10000x128xf32, #tpu.memory_space<hbm>> -> memref<10000x128xf32, #tpu.memory_space<hbm>>
      tpu.wait_indirect_dma semaphore(%arg17 : memref<!tpu.dma_semaphore, #tpu.memory_space<semaphore_mem>>) src(%dma_wait3A_400 : memref<10000x128xf32, #tpu.memory_space<hbm>>) dst(%arg11 : memref<80x128xf32, #tpu.memory_space<vmem>>)
      %run_scoped3A_401 = arith.constant 0 : i32
      "tpu.region"() ({
        %run_scoped3A_409 = tpu.sem_alloc : memref<!tpu.dma_semaphore, #tpu.memory_space<semaphore_mem>>
        %dma_start3A_410 = arith.constant 0 : i32
        %dma_start3A_411 = tpu.memref_slice %arg9[%add3A_274, %run_scoped3A_401, %dma_start3A_410] : memref<64x1x80xi32, #tpu.memory_space<vmem>> -> memref<1x1x80xi32, #tpu.memory_space<vmem>>
        %dma_start3A_412 = tpu.memref_squeeze %dma_start3A_411 : memref<1x1x80xi32, #tpu.memory_space<vmem>> -> memref<80xi32, #tpu.memory_space<vmem>>
        %dma_start3A_413 = arith.constant 0 : i32
        %dma_start3A_414 = arith.constant 0 : i32
        %dma_start3A_415 = tpu.memref_slice %arg14[%dma_start3A_413, %dma_start3A_414] : memref<10240x128xf32, #tpu.memory_space<vmem_shared>> -> memref<10240x128xf32, #tpu.memory_space<vmem_shared>>
        tpu.enqueue_indirect_dma source(%arg11 : memref<80x128xf32, #tpu.memory_space<vmem>>) target(%dma_start3A_415 : memref<10240x128xf32, #tpu.memory_space<vmem_shared>>) offsets(%dma_start3A_412 : memref<80xi32, #tpu.memory_space<vmem>>) semaphore(%run_scoped3A_409 : memref<!tpu.dma_semaphore, #tpu.memory_space<semaphore_mem>>) {add = true}
        %dma_wait3A_416 = arith.constant 0 : i32
        %dma_wait3A_417 = tpu.memref_slice %arg9[%add3A_274, %run_scoped3A_401, %dma_wait3A_416] : memref<64x1x80xi32, #tpu.memory_space<vmem>> -> memref<1x1x80xi32, #tpu.memory_space<vmem>>
        %dma_wait3A_418 = tpu.memref_squeeze %dma_wait3A_417 : memref<1x1x80xi32, #tpu.memory_space<vmem>> -> memref<80xi32, #tpu.memory_space<vmem>>
        %dma_wait3A_419 = arith.constant 0 : i32
        %dma_wait3A_420 = arith.constant 0 : i32
        %dma_wait3A_421 = tpu.memref_slice %arg14[%dma_wait3A_419, %dma_wait3A_420] : memref<10240x128xf32, #tpu.memory_space<vmem_shared>> -> memref<10240x128xf32, #tpu.memory_space<vmem_shared>>
        tpu.wait_indirect_dma semaphore(%run_scoped3A_409 : memref<!tpu.dma_semaphore, #tpu.memory_space<semaphore_mem>>) src(%arg11 : memref<80x128xf32, #tpu.memory_space<vmem>>) dst(%dma_wait3A_421 : memref<10240x128xf32, #tpu.memory_space<vmem_shared>>)
        tpu.yield
      }) : () -> ()
      %add3A_402 = arith.constant 2 : i32
      %add3A_403 = arith.addi %add3A_274, %add3A_402 : i32
      %lt3A_404 = arith.constant 64 : i32
      %lt3A_405 = arith.cmpi slt, %add3A_403, %lt3A_404 : i32
      %convert_element_type3A_406 = arith.extui %lt3A_405 : i1 to i32
      %cond3A_407 = arith.constant 0 : i32
      %cond3A_408 = arith.cmpi ne, %convert_element_type3A_406, %cond3A_407 : i32
      scf.if %cond3A_408 {
        %add3A_409 = arith.constant 2 : i32
        %add3A_410 = arith.addi %add3A_274, %add3A_409 : i32
        %mul3A_411 = arith.constant 80 : i32
        %mul3A_412 = arith.muli %add3A_410, %mul3A_411 : i32
        %dma_start3A_413 = tpu.memref_slice %arg8[%mul3A_412] : memref<5120xi32, #tpu.memory_space<vmem>> -> memref<80xi32, #tpu.memory_space<vmem>>
        %dma_start3A_414 = arith.constant 0 : i32
        %dma_start3A_415 = arith.constant 0 : i32
        %dma_start3A_416 = tpu.memref_slice %arg2[%dma_start3A_414, %dma_start3A_415] : memref<10000x128xf32, #tpu.memory_space<hbm>> -> memref<10000x128xf32, #tpu.memory_space<hbm>>
        tpu.enqueue_indirect_dma source(%dma_start3A_416 : memref<10000x128xf32, #tpu.memory_space<hbm>>) target(%arg11 : memref<80x128xf32, #tpu.memory_space<vmem>>) offsets(%dma_start3A_413 : memref<80xi32, #tpu.memory_space<vmem>>) semaphore(%arg17 : memref<!tpu.dma_semaphore, #tpu.memory_space<semaphore_mem>>)
      } else {
      }
    }
    %scan3A_245 = arith.constant 32 : i32
    "tpu.region"() ({
      %run_scoped3A = tpu.sem_alloc : memref<!tpu.dma_semaphore, #tpu.memory_space<semaphore_mem>>
      %dma_start3A_270 = arith.constant 0 : i32
      %dma_start3A_271 = arith.constant 0 : i32
      %dma_start3A_272 = tpu.memref_slice %arg15[%dma_start3A_270, %dma_start3A_271] : memref<80x128xf32, #tpu.memory_space<vmem_shared>> -> memref<80x128xf32, #tpu.memory_space<vmem_shared>>
      tpu.enqueue_indirect_dma source(%arg12 : memref<80x128xf32, #tpu.memory_space<vmem>>) target(%dma_start3A_272 : memref<80x128xf32, #tpu.memory_space<vmem_shared>>) offsets(%arg13 : memref<80xi32, #tpu.memory_space<vmem>>) semaphore(%run_scoped3A : memref<!tpu.dma_semaphore, #tpu.memory_space<semaphore_mem>>) {add = true}
      %dma_wait3A_273 = arith.constant 0 : i32
      %dma_wait3A_274 = arith.constant 0 : i32
      %dma_wait3A_275 = tpu.memref_slice %arg15[%dma_wait3A_273, %dma_wait3A_274] : memref<80x128xf32, #tpu.memory_space<vmem_shared>> -> memref<80x128xf32, #tpu.memory_space<vmem_shared>>
      tpu.wait_indirect_dma semaphore(%run_scoped3A : memref<!tpu.dma_semaphore, #tpu.memory_space<semaphore_mem>>) src(%arg12 : memref<80x128xf32, #tpu.memory_space<vmem>>) dst(%dma_wait3A_275 : memref<80x128xf32, #tpu.memory_space<vmem_shared>>)
      tpu.yield
    }) : () -> ()
    %barrier3A_246 = arith.constant 0 : index
    tpu.barrier barrier_id(%barrier3A_246)
    %add3A_247 = arith.constant 4 : i32
    %add3A_248 = arith.addi %add3A_247, %arg0 : i32
    %mul3A_249 = arith.constant 10240 : i32
    %mul3A_250 = arith.muli %add3A_248, %mul3A_249 : i32
    %add3A_251 = arith.addi %mul3A_250, %mul3A_2 : i32
    %dma_start3A_252 = arith.constant 0 : i32
    %dma_start3A_253 = tpu.memref_slice %arg6[%add3A_251, %dma_start3A_252] : memref<61440x128xf32, #tpu.memory_space<hbm>> -> memref<640x128xf32, #tpu.memory_space<hbm>>
    %dma_start3A_254 = arith.constant 0 : i32
    %dma_start3A_255 = tpu.memref_slice %arg14[%mul3A_2, %dma_start3A_254] : memref<10240x128xf32, #tpu.memory_space<vmem_shared>> -> memref<640x128xf32, #tpu.memory_space<vmem_shared>>
    tpu.enqueue_dma source(%dma_start3A_255 : memref<640x128xf32, #tpu.memory_space<vmem_shared>>) target(%dma_start3A_253 : memref<640x128xf32, #tpu.memory_space<hbm>>) target_semaphore(%arg19 : memref<!tpu.dma_semaphore, #tpu.memory_space<semaphore_mem>>)
    %eq3A_256 = arith.constant 0 : i32
    %eq3A_257 = arith.cmpi eq, %arg1, %eq3A_256 : i32
    %convert_element_type3A_258 = arith.extui %eq3A_257 : i1 to i32
    %cond3A_259 = arith.constant 0 : i32
    %cond3A_260 = arith.cmpi ne, %convert_element_type3A_258, %cond3A_259 : i32
    scf.if %cond3A_260 {
      %add3A_270 = arith.constant 4 : i32
      %add3A_271 = arith.addi %add3A_270, %arg0 : i32
      %mul3A_272 = arith.constant 80 : i32
      %mul3A_273 = arith.muli %add3A_271, %mul3A_272 : i32
      "tpu.region"() ({
        %run_scoped3A = tpu.sem_alloc : memref<!tpu.dma_semaphore, #tpu.memory_space<semaphore_mem>>
        %dma_start3A_274 = arith.constant 0 : i32
        %dma_start3A_275 = tpu.memref_slice %arg7[%mul3A_273, %dma_start3A_274] : memref<480x128xf32, #tpu.memory_space<hbm>> -> memref<80x128xf32, #tpu.memory_space<hbm>>
        tpu.enqueue_dma source(%arg15 : memref<80x128xf32, #tpu.memory_space<vmem_shared>>) target(%dma_start3A_275 : memref<80x128xf32, #tpu.memory_space<hbm>>) target_semaphore(%run_scoped3A : memref<!tpu.dma_semaphore, #tpu.memory_space<semaphore_mem>>)
        %dma_wait3A_276 = arith.constant 0 : i32
        %dma_wait3A_277 = tpu.memref_slice %arg7[%mul3A_273, %dma_wait3A_276] : memref<480x128xf32, #tpu.memory_space<hbm>> -> memref<80x128xf32, #tpu.memory_space<hbm>>
        tpu.wait_dma2 semaphore(%run_scoped3A : memref<!tpu.dma_semaphore, #tpu.memory_space<semaphore_mem>>) src(%arg15 : memref<80x128xf32, #tpu.memory_space<vmem_shared>>) dst(%dma_wait3A_277 : memref<80x128xf32, #tpu.memory_space<hbm>>)
        tpu.yield
      }) : () -> ()
    } else {
    }
    %add3A_261 = arith.constant 4 : i32
    %add3A_262 = arith.addi %add3A_261, %arg0 : i32
    %mul3A_263 = arith.constant 10240 : i32
    %mul3A_264 = arith.muli %add3A_262, %mul3A_263 : i32
    %add3A_265 = arith.addi %mul3A_264, %mul3A_2 : i32
    %dma_wait3A_266 = arith.constant 0 : i32
    %dma_wait3A_267 = tpu.memref_slice %arg6[%add3A_265, %dma_wait3A_266] : memref<61440x128xf32, #tpu.memory_space<hbm>> -> memref<640x128xf32, #tpu.memory_space<hbm>>
    %dma_wait3A_268 = arith.constant 0 : i32
    %dma_wait3A_269 = tpu.memref_slice %arg14[%mul3A_2, %dma_wait3A_268] : memref<10240x128xf32, #tpu.memory_space<vmem_shared>> -> memref<640x128xf32, #tpu.memory_space<vmem_shared>>
    tpu.wait_dma2 semaphore(%arg19 : memref<!tpu.dma_semaphore, #tpu.memory_space<semaphore_mem>>) src(%dma_wait3A_269 : memref<640x128xf32, #tpu.memory_space<vmem_shared>>) dst(%dma_wait3A_267 : memref<640x128xf32, #tpu.memory_space<hbm>>)
    return
  }
}

module attributes {stable_mosaic.version = 14 : i64} {
  func.func @_tc_combine_body(%arg0: i32, %arg1: memref<3x2x2048x128xf32, #tpu.memory_space<vmem>>, %arg2: memref<3x16x128xf32, #tpu.memory_space<vmem>>, %arg3: memref<3x128x128xf32, #tpu.memory_space<vmem>>, %arg4: memref<3x1x128xf32, #tpu.memory_space<vmem>>, %arg5: memref<2048x128xf32, #tpu.memory_space<vmem>>) attributes {dimension_semantics = [#tpu.dimension_semantics<arbitrary>], iteration_bounds = array<i64: 5>, scalar_prefetch = 0 : i64, scratch_operands = 0 : i64, tpu.core_type = #tpu.core_type<tc>, window_params = [{transform_indices = @transform_0, window_bounds = array<i64: 3, 2, 2048, 128>}, {transform_indices = @transform_1, window_bounds = array<i64: 3, 16, 128>}, {pipeline_mode = #tpu.pipeline_mode<synchronous>, transform_indices = @transform_2, window_bounds = array<i64: 3, 128, 128>}, {pipeline_mode = #tpu.pipeline_mode<synchronous>, transform_indices = @transform_3, window_bounds = array<i64: 3, 1, 128>}, {transform_indices = @transform_4, window_bounds = array<i64: 2048, 128>}]} {
    %iota3A = tpu.iota {dimensions = array<i32: 0>} : vector<2048x16xi32>
    %jit3A = arith.constant 128 : i32
    %div3A = vector.broadcast %jit3A : i32 to vector<2048x16xi32>
    %div3A_0 = arith.divsi %iota3A, %div3A : vector<2048x16xi32>
    %sign3A = arith.constant 0 : i32
    %sign3A_1 = vector.broadcast %sign3A : i32 to vector<2048x16xi32>
    %sign3A_2 = arith.cmpi sgt, %iota3A, %sign3A_1 : vector<2048x16xi32>
    %sign3A_3 = arith.extui %sign3A_2 : vector<2048x16xi1> to vector<2048x16xi32>
    %sign3A_4 = arith.constant 0 : i32
    %sign3A_5 = vector.broadcast %sign3A_4 : i32 to vector<2048x16xi32>
    %sign3A_6 = arith.cmpi slt, %iota3A, %sign3A_5 : vector<2048x16xi32>
    %sign3A_7 = arith.extui %sign3A_6 : vector<2048x16xi1> to vector<2048x16xi32>
    %sign3A_8 = arith.subi %sign3A_3, %sign3A_7 : vector<2048x16xi32>
    %sign3A_9 = arith.constant 0 : i32
    %sign3A_10 = arith.cmpi sgt, %jit3A, %sign3A_9 : i32
    %sign3A_11 = arith.extui %sign3A_10 : i1 to i32
    %sign3A_12 = arith.constant 0 : i32
    %sign3A_13 = arith.cmpi slt, %jit3A, %sign3A_12 : i32
    %sign3A_14 = arith.extui %sign3A_13 : i1 to i32
    %sign3A_15 = arith.subi %sign3A_11, %sign3A_14 : i32
    %ne3A = vector.broadcast %sign3A_15 : i32 to vector<2048x16xi32>
    %ne3A_16 = arith.cmpi ne, %sign3A_8, %ne3A : vector<2048x16xi32>
    %rem3A = vector.broadcast %jit3A : i32 to vector<2048x16xi32>
    %rem3A_17 = arith.remsi %iota3A, %rem3A : vector<2048x16xi32>
    %ne3A_18 = arith.constant 0 : i32
    %ne3A_19 = vector.broadcast %ne3A_18 : i32 to vector<2048x16xi32>
    %ne3A_20 = arith.cmpi ne, %rem3A_17, %ne3A_19 : vector<2048x16xi32>
    %and3A = arith.andi %ne3A_16, %ne3A_20 : vector<2048x16xi1>
    %sub3A = arith.constant 1 : i32
    %sub3A_21 = vector.broadcast %sub3A : i32 to vector<2048x16xi32>
    %sub3A_22 = arith.subi %div3A_0, %sub3A_21 : vector<2048x16xi32>
    %select_n3A = arith.select %and3A, %sub3A_22, %div3A_0 : vector<2048x16xi1>, vector<2048x16xi32>
    %iota3A_23 = tpu.iota {dimensions = array<i32: 1>} : vector<2048x16xi32>
    %eq3A = arith.cmpi eq, %select_n3A, %iota3A_23 : vector<2048x16xi32>
    %convert_element_type3A = arith.extui %eq3A : vector<2048x16xi1> to vector<2048x16xi32>
    %convert_element_type3A_24 = arith.sitofp %convert_element_type3A : vector<2048x16xi32> to vector<2048x16xf32>
    %iota3A_25 = tpu.iota {dimensions = array<i32: 0>} : vector<2048x128xi32>
    %jit3A_26 = arith.constant 128 : i32
    %eq3A_27 = arith.constant 0 : i32
    %eq3A_28 = arith.cmpi eq, %jit3A_26, %eq3A_27 : i32
    %jit3A_29 = arith.constant 1 : i32
    %select_n3A_30 = arith.select %eq3A_28, %jit3A_29, %jit3A_26 : i32
    %rem3A_31 = vector.broadcast %select_n3A_30 : i32 to vector<2048x128xi32>
    %rem3A_32 = arith.remsi %iota3A_25, %rem3A_31 : vector<2048x128xi32>
    %ne3A_33 = arith.constant 0 : i32
    %ne3A_34 = vector.broadcast %ne3A_33 : i32 to vector<2048x128xi32>
    %ne3A_35 = arith.cmpi ne, %rem3A_32, %ne3A_34 : vector<2048x128xi32>
    %lt3A = arith.constant 0 : i32
    %lt3A_36 = vector.broadcast %lt3A : i32 to vector<2048x128xi32>
    %lt3A_37 = arith.cmpi slt, %rem3A_32, %lt3A_36 : vector<2048x128xi32>
    %lt3A_38 = arith.constant 0 : i32
    %lt3A_39 = arith.cmpi slt, %select_n3A_30, %lt3A_38 : i32
    %ne3A_40 = vector.broadcast %lt3A_39 : i1 to vector<2048x128xi1>
    %ne3A_41 = vector.broadcast %ne3A_40 : vector<2048x128xi1> to vector<2048x128xi1>
    %ne3A_42 = arith.xori %lt3A_37, %ne3A_41 : vector<2048x128xi1>
    %and3A_43 = arith.andi %ne3A_42, %ne3A_35 : vector<2048x128xi1>
    %add3A = vector.broadcast %select_n3A_30 : i32 to vector<2048x128xi32>
    %add3A_44 = arith.addi %rem3A_32, %add3A : vector<2048x128xi32>
    %select_n3A_45 = arith.select %and3A_43, %add3A_44, %rem3A_32 : vector<2048x128xi1>, vector<2048x128xi32>
    %iota3A_46 = tpu.iota {dimensions = array<i32: 1>} : vector<2048x128xi32>
    %eq3A_47 = arith.cmpi eq, %select_n3A_45, %iota3A_46 : vector<2048x128xi32>
    %convert_element_type3A_48 = arith.extui %eq3A_47 : vector<2048x128xi1> to vector<2048x128xi32>
    %convert_element_type3A_49 = arith.sitofp %convert_element_type3A_48 : vector<2048x128xi32> to vector<2048x128xf32>
    %broadcast_in_dim3A = arith.constant 1.000000e+00 : f32
    %broadcast_in_dim3A_50 = vector.broadcast %broadcast_in_dim3A : f32 to vector<128x1xf32>
    %broadcast_in_dim3A_51 = arith.constant 0.000000e+00 : f32
    %broadcast_in_dim3A_52 = vector.broadcast %broadcast_in_dim3A_51 : f32 to vector<2048x128xf32>
    %get3A = arith.constant 0 : index
    %get3A_53 = arith.constant 0 : index
    %get3A_54 = arith.constant 0 : index
    %get3A_55 = arith.constant 0 : index
    %get3A_56 = vector.load %arg1[%get3A, %get3A_53, %get3A_54, %get3A_55] : memref<3x2x2048x128xf32, #tpu.memory_space<vmem>>, vector<1x1x2048x128xf32>
    %get3A_57 = vector.shape_cast %get3A_56 : vector<1x1x2048x128xf32> to vector<2048x128xf32>
    %get3A_58 = arith.constant 0 : index
    %get3A_59 = arith.constant 1 : index
    %get3A_60 = arith.constant 0 : index
    %get3A_61 = arith.constant 0 : index
    %get3A_62 = vector.load %arg1[%get3A_58, %get3A_59, %get3A_60, %get3A_61] : memref<3x2x2048x128xf32, #tpu.memory_space<vmem>>, vector<1x1x2048x128xf32>
    %get3A_63 = vector.shape_cast %get3A_62 : vector<1x1x2048x128xf32> to vector<2048x128xf32>
    %add3A_64 = arith.addf %get3A_57, %get3A_63 : vector<2048x128xf32>
    %get3A_65 = arith.constant 0 : index
    %get3A_66 = arith.constant 0 : index
    %get3A_67 = arith.constant 0 : index
    %get3A_68 = vector.load %arg2[%get3A_65, %get3A_66, %get3A_67] : memref<3x16x128xf32, #tpu.memory_space<vmem>>, vector<1x16x128xf32>
    %get3A_69 = vector.shape_cast %get3A_68 : vector<1x16x128xf32> to vector<16x128xf32>
    %dot_general3A = arith.constant dense<0.000000e+00> : vector<2048x128xf32>
    %dot_general3A_70 = tpu.matmul %convert_element_type3A_24, %get3A_69, %dot_general3A {dimension_numbers = #tpu.dot_dimension_numbers<[1], [0], [0], [1], [0, 0, 1, 1], [], []>, transpose_lhs_hint = false} : vector<2048x16xf32>, vector<16x128xf32>, vector<2048x128xf32> -> vector<2048x128xf32>
    %mul3A = arith.mulf %dot_general3A_70, %convert_element_type3A_49 : vector<2048x128xf32>
    %dot_general3A_71 = arith.constant dense<0.000000e+00> : vector<2048x1xf32>
    %dot_general3A_72 = tpu.matmul %mul3A, %broadcast_in_dim3A_50, %dot_general3A_71 {dimension_numbers = #tpu.dot_dimension_numbers<[1], [0], [0], [1], [0, 0, 1, 1], [], []>, transpose_lhs_hint = false} : vector<2048x128xf32>, vector<128x1xf32>, vector<2048x1xf32> -> vector<2048x1xf32>
    %max3A = arith.constant 1.000000e+00 : f32
    %max3A_73 = vector.broadcast %max3A : f32 to vector<2048x1xf32>
    %max3A_74 = arith.maximumf %dot_general3A_72, %max3A_73 : vector<2048x1xf32>
    %get3A_75 = arith.constant 0 : index
    %get3A_76 = arith.constant 0 : index
    %get3A_77 = arith.constant 0 : index
    %get3A_78 = vector.load %arg3[%get3A_75, %get3A_76, %get3A_77] : memref<3x128x128xf32, #tpu.memory_space<vmem>>, vector<1x128x128xf32>
    %get3A_79 = vector.shape_cast %get3A_78 : vector<1x128x128xf32> to vector<128x128xf32>
    %dot_general3A_80 = arith.constant dense<0.000000e+00> : vector<2048x128xf32>
    %dot_general3A_81 = tpu.matmul %add3A_64, %get3A_79, %dot_general3A_80 {dimension_numbers = #tpu.dot_dimension_numbers<[1], [0], [0], [1], [0, 0, 1, 1], [], []>, transpose_lhs_hint = false} : vector<2048x128xf32>, vector<128x128xf32>, vector<2048x128xf32> -> vector<2048x128xf32>
    %div3A_82 = vector.broadcast %max3A_74 : vector<2048x1xf32> to vector<2048x128xf32>
    %div3A_83 = arith.divf %dot_general3A_81, %div3A_82 : vector<2048x128xf32>
    %gt3A = arith.constant 0.000000e+00 : f32
    %gt3A_84 = vector.broadcast %gt3A : f32 to vector<2048x1xf32>
    %gt3A_85 = arith.cmpf ogt, %dot_general3A_72, %gt3A_84 : vector<2048x1xf32>
    %get3A_86 = arith.constant 0 : index
    %get3A_87 = arith.constant 0 : index
    %get3A_88 = arith.constant 0 : index
    %get3A_89 = vector.load %arg4[%get3A_86, %get3A_87, %get3A_88] : memref<3x1x128xf32, #tpu.memory_space<vmem>>, vector<1x1x128xf32>
    %get3A_90 = vector.shape_cast %get3A_89 : vector<1x1x128xf32> to vector<1x128xf32>
    %jit3A_91 = arith.constant 0.000000e+00 : f32
    %broadcast_in_dim3A_92 = vector.shape_cast %gt3A_85 : vector<2048x1xi1> to vector<2048x1xi1>
    %broadcast_in_dim3A_93 = vector.broadcast %broadcast_in_dim3A_92 : vector<2048x1xi1> to vector<2048x128xi1>
    %broadcast_in_dim3A_94 = vector.shape_cast %get3A_90 : vector<1x128xf32> to vector<1x128xf32>
    %broadcast_in_dim3A_95 = vector.broadcast %broadcast_in_dim3A_94 : vector<1x128xf32> to vector<2048x128xf32>
    %broadcast_in_dim3A_96 = vector.broadcast %jit3A_91 : f32 to vector<2048x128xf32>
    %select_n3A_97 = arith.select %broadcast_in_dim3A_93, %broadcast_in_dim3A_95, %broadcast_in_dim3A_96 : vector<2048x128xi1>, vector<2048x128xf32>
    %add3A_98 = arith.addf %div3A_83, %select_n3A_97 : vector<2048x128xf32>
    %add3A_99 = arith.addf %broadcast_in_dim3A_52, %add3A_98 : vector<2048x128xf32>
    %get3A_100 = arith.constant 1 : index
    %get3A_101 = arith.constant 0 : index
    %get3A_102 = arith.constant 0 : index
    %get3A_103 = arith.constant 0 : index
    %get3A_104 = vector.load %arg1[%get3A_100, %get3A_101, %get3A_102, %get3A_103] : memref<3x2x2048x128xf32, #tpu.memory_space<vmem>>, vector<1x1x2048x128xf32>
    %get3A_105 = vector.shape_cast %get3A_104 : vector<1x1x2048x128xf32> to vector<2048x128xf32>
    %get3A_106 = arith.constant 1 : index
    %get3A_107 = arith.constant 1 : index
    %get3A_108 = arith.constant 0 : index
    %get3A_109 = arith.constant 0 : index
    %get3A_110 = vector.load %arg1[%get3A_106, %get3A_107, %get3A_108, %get3A_109] : memref<3x2x2048x128xf32, #tpu.memory_space<vmem>>, vector<1x1x2048x128xf32>
    %get3A_111 = vector.shape_cast %get3A_110 : vector<1x1x2048x128xf32> to vector<2048x128xf32>
    %add3A_112 = arith.addf %get3A_105, %get3A_111 : vector<2048x128xf32>
    %get3A_113 = arith.constant 1 : index
    %get3A_114 = arith.constant 0 : index
    %get3A_115 = arith.constant 0 : index
    %get3A_116 = vector.load %arg2[%get3A_113, %get3A_114, %get3A_115] : memref<3x16x128xf32, #tpu.memory_space<vmem>>, vector<1x16x128xf32>
    %get3A_117 = vector.shape_cast %get3A_116 : vector<1x16x128xf32> to vector<16x128xf32>
    %dot_general3A_118 = arith.constant dense<0.000000e+00> : vector<2048x128xf32>
    %dot_general3A_119 = tpu.matmul %convert_element_type3A_24, %get3A_117, %dot_general3A_118 {dimension_numbers = #tpu.dot_dimension_numbers<[1], [0], [0], [1], [0, 0, 1, 1], [], []>, transpose_lhs_hint = false} : vector<2048x16xf32>, vector<16x128xf32>, vector<2048x128xf32> -> vector<2048x128xf32>
    %mul3A_120 = arith.mulf %dot_general3A_119, %convert_element_type3A_49 : vector<2048x128xf32>
    %dot_general3A_121 = arith.constant dense<0.000000e+00> : vector<2048x1xf32>
    %dot_general3A_122 = tpu.matmul %mul3A_120, %broadcast_in_dim3A_50, %dot_general3A_121 {dimension_numbers = #tpu.dot_dimension_numbers<[1], [0], [0], [1], [0, 0, 1, 1], [], []>, transpose_lhs_hint = false} : vector<2048x128xf32>, vector<128x1xf32>, vector<2048x1xf32> -> vector<2048x1xf32>
    %max3A_123 = arith.constant 1.000000e+00 : f32
    %max3A_124 = vector.broadcast %max3A_123 : f32 to vector<2048x1xf32>
    %max3A_125 = arith.maximumf %dot_general3A_122, %max3A_124 : vector<2048x1xf32>
    %get3A_126 = arith.constant 1 : index
    %get3A_127 = arith.constant 0 : index
    %get3A_128 = arith.constant 0 : index
    %get3A_129 = vector.load %arg3[%get3A_126, %get3A_127, %get3A_128] : memref<3x128x128xf32, #tpu.memory_space<vmem>>, vector<1x128x128xf32>
    %get3A_130 = vector.shape_cast %get3A_129 : vector<1x128x128xf32> to vector<128x128xf32>
    %dot_general3A_131 = arith.constant dense<0.000000e+00> : vector<2048x128xf32>
    %dot_general3A_132 = tpu.matmul %add3A_112, %get3A_130, %dot_general3A_131 {dimension_numbers = #tpu.dot_dimension_numbers<[1], [0], [0], [1], [0, 0, 1, 1], [], []>, transpose_lhs_hint = false} : vector<2048x128xf32>, vector<128x128xf32>, vector<2048x128xf32> -> vector<2048x128xf32>
    %div3A_133 = vector.broadcast %max3A_125 : vector<2048x1xf32> to vector<2048x128xf32>
    %div3A_134 = arith.divf %dot_general3A_132, %div3A_133 : vector<2048x128xf32>
    %gt3A_135 = arith.constant 0.000000e+00 : f32
    %gt3A_136 = vector.broadcast %gt3A_135 : f32 to vector<2048x1xf32>
    %gt3A_137 = arith.cmpf ogt, %dot_general3A_122, %gt3A_136 : vector<2048x1xf32>
    %get3A_138 = arith.constant 1 : index
    %get3A_139 = arith.constant 0 : index
    %get3A_140 = arith.constant 0 : index
    %get3A_141 = vector.load %arg4[%get3A_138, %get3A_139, %get3A_140] : memref<3x1x128xf32, #tpu.memory_space<vmem>>, vector<1x1x128xf32>
    %get3A_142 = vector.shape_cast %get3A_141 : vector<1x1x128xf32> to vector<1x128xf32>
    %jit3A_143 = arith.constant 0.000000e+00 : f32
    %broadcast_in_dim3A_144 = vector.shape_cast %gt3A_137 : vector<2048x1xi1> to vector<2048x1xi1>
    %broadcast_in_dim3A_145 = vector.broadcast %broadcast_in_dim3A_144 : vector<2048x1xi1> to vector<2048x128xi1>
    %broadcast_in_dim3A_146 = vector.shape_cast %get3A_142 : vector<1x128xf32> to vector<1x128xf32>
    %broadcast_in_dim3A_147 = vector.broadcast %broadcast_in_dim3A_146 : vector<1x128xf32> to vector<2048x128xf32>
    %broadcast_in_dim3A_148 = vector.broadcast %jit3A_143 : f32 to vector<2048x128xf32>
    %select_n3A_149 = arith.select %broadcast_in_dim3A_145, %broadcast_in_dim3A_147, %broadcast_in_dim3A_148 : vector<2048x128xi1>, vector<2048x128xf32>
    %add3A_150 = arith.addf %div3A_134, %select_n3A_149 : vector<2048x128xf32>
    %add3A_151 = arith.addf %add3A_99, %add3A_150 : vector<2048x128xf32>
    %get3A_152 = arith.constant 2 : index
    %get3A_153 = arith.constant 0 : index
    %get3A_154 = arith.constant 0 : index
    %get3A_155 = arith.constant 0 : index
    %get3A_156 = vector.load %arg1[%get3A_152, %get3A_153, %get3A_154, %get3A_155] : memref<3x2x2048x128xf32, #tpu.memory_space<vmem>>, vector<1x1x2048x128xf32>
    %get3A_157 = vector.shape_cast %get3A_156 : vector<1x1x2048x128xf32> to vector<2048x128xf32>
    %get3A_158 = arith.constant 2 : index
    %get3A_159 = arith.constant 1 : index
    %get3A_160 = arith.constant 0 : index
    %get3A_161 = arith.constant 0 : index
    %get3A_162 = vector.load %arg1[%get3A_158, %get3A_159, %get3A_160, %get3A_161] : memref<3x2x2048x128xf32, #tpu.memory_space<vmem>>, vector<1x1x2048x128xf32>
    %get3A_163 = vector.shape_cast %get3A_162 : vector<1x1x2048x128xf32> to vector<2048x128xf32>
    %add3A_164 = arith.addf %get3A_157, %get3A_163 : vector<2048x128xf32>
    %get3A_165 = arith.constant 2 : index
    %get3A_166 = arith.constant 0 : index
    %get3A_167 = arith.constant 0 : index
    %get3A_168 = vector.load %arg2[%get3A_165, %get3A_166, %get3A_167] : memref<3x16x128xf32, #tpu.memory_space<vmem>>, vector<1x16x128xf32>
    %get3A_169 = vector.shape_cast %get3A_168 : vector<1x16x128xf32> to vector<16x128xf32>
    %dot_general3A_170 = arith.constant dense<0.000000e+00> : vector<2048x128xf32>
    %dot_general3A_171 = tpu.matmul %convert_element_type3A_24, %get3A_169, %dot_general3A_170 {dimension_numbers = #tpu.dot_dimension_numbers<[1], [0], [0], [1], [0, 0, 1, 1], [], []>, transpose_lhs_hint = false} : vector<2048x16xf32>, vector<16x128xf32>, vector<2048x128xf32> -> vector<2048x128xf32>
    %mul3A_172 = arith.mulf %dot_general3A_171, %convert_element_type3A_49 : vector<2048x128xf32>
    %dot_general3A_173 = arith.constant dense<0.000000e+00> : vector<2048x1xf32>
    %dot_general3A_174 = tpu.matmul %mul3A_172, %broadcast_in_dim3A_50, %dot_general3A_173 {dimension_numbers = #tpu.dot_dimension_numbers<[1], [0], [0], [1], [0, 0, 1, 1], [], []>, transpose_lhs_hint = false} : vector<2048x128xf32>, vector<128x1xf32>, vector<2048x1xf32> -> vector<2048x1xf32>
    %max3A_175 = arith.constant 1.000000e+00 : f32
    %max3A_176 = vector.broadcast %max3A_175 : f32 to vector<2048x1xf32>
    %max3A_177 = arith.maximumf %dot_general3A_174, %max3A_176 : vector<2048x1xf32>
    %get3A_178 = arith.constant 2 : index
    %get3A_179 = arith.constant 0 : index
    %get3A_180 = arith.constant 0 : index
    %get3A_181 = vector.load %arg3[%get3A_178, %get3A_179, %get3A_180] : memref<3x128x128xf32, #tpu.memory_space<vmem>>, vector<1x128x128xf32>
    %get3A_182 = vector.shape_cast %get3A_181 : vector<1x128x128xf32> to vector<128x128xf32>
    %dot_general3A_183 = arith.constant dense<0.000000e+00> : vector<2048x128xf32>
    %dot_general3A_184 = tpu.matmul %add3A_164, %get3A_182, %dot_general3A_183 {dimension_numbers = #tpu.dot_dimension_numbers<[1], [0], [0], [1], [0, 0, 1, 1], [], []>, transpose_lhs_hint = false} : vector<2048x128xf32>, vector<128x128xf32>, vector<2048x128xf32> -> vector<2048x128xf32>
    %div3A_185 = vector.broadcast %max3A_177 : vector<2048x1xf32> to vector<2048x128xf32>
    %div3A_186 = arith.divf %dot_general3A_184, %div3A_185 : vector<2048x128xf32>
    %gt3A_187 = arith.constant 0.000000e+00 : f32
    %gt3A_188 = vector.broadcast %gt3A_187 : f32 to vector<2048x1xf32>
    %gt3A_189 = arith.cmpf ogt, %dot_general3A_174, %gt3A_188 : vector<2048x1xf32>
    %get3A_190 = arith.constant 2 : index
    %get3A_191 = arith.constant 0 : index
    %get3A_192 = arith.constant 0 : index
    %get3A_193 = vector.load %arg4[%get3A_190, %get3A_191, %get3A_192] : memref<3x1x128xf32, #tpu.memory_space<vmem>>, vector<1x1x128xf32>
    %get3A_194 = vector.shape_cast %get3A_193 : vector<1x1x128xf32> to vector<1x128xf32>
    %jit3A_195 = arith.constant 0.000000e+00 : f32
    %broadcast_in_dim3A_196 = vector.shape_cast %gt3A_189 : vector<2048x1xi1> to vector<2048x1xi1>
    %broadcast_in_dim3A_197 = vector.broadcast %broadcast_in_dim3A_196 : vector<2048x1xi1> to vector<2048x128xi1>
    %broadcast_in_dim3A_198 = vector.shape_cast %get3A_194 : vector<1x128xf32> to vector<1x128xf32>
    %broadcast_in_dim3A_199 = vector.broadcast %broadcast_in_dim3A_198 : vector<1x128xf32> to vector<2048x128xf32>
    %broadcast_in_dim3A_200 = vector.broadcast %jit3A_195 : f32 to vector<2048x128xf32>
    %select_n3A_201 = arith.select %broadcast_in_dim3A_197, %broadcast_in_dim3A_199, %broadcast_in_dim3A_200 : vector<2048x128xi1>, vector<2048x128xf32>
    %add3A_202 = arith.addf %div3A_186, %select_n3A_201 : vector<2048x128xf32>
    %add3A_203 = arith.addf %add3A_151, %add3A_202 : vector<2048x128xf32>
    %swap3A = arith.constant 0 : index
    %swap3A_204 = arith.constant 0 : index
    %swap3A_205 = vector.load %arg5[%swap3A, %swap3A_204] : memref<2048x128xf32, #tpu.memory_space<vmem>>, vector<2048x128xf32>
    tpu.vector_store %arg5[%swap3A, %swap3A_204], %add3A_203 {strides = array<i32>} : memref<2048x128xf32, #tpu.memory_space<vmem>>, vector<2048x128xf32>,
    return
  }
  func.func @transform_0(%arg0: i32) -> (i32, i32, i32, i32) {
    %c0_i32 = arith.constant 0 : i32
    %c0_i32_0 = arith.constant 0 : i32
    %c0_i32_1 = arith.constant 0 : i32
    %c0_i32_2 = arith.constant 0 : i32
    return %c0_i32, %c0_i32_0, %arg0, %c0_i32_1 : i32, i32, i32, i32
  }
  func.func @transform_1(%arg0: i32) -> (i32, i32, i32) {
    %c0_i32 = arith.constant 0 : i32
    %c0_i32_0 = arith.constant 0 : i32
    %c0_i32_1 = arith.constant 0 : i32
    return %c0_i32, %arg0, %c0_i32_0 : i32, i32, i32
  }
  func.func @transform_2(%arg0: i32) -> (i32, i32, i32) {
    %c0_i32 = arith.constant 0 : i32
    %c0_i32_0 = arith.constant 0 : i32
    %c0_i32_1 = arith.constant 0 : i32
    %c0_i32_2 = arith.constant 0 : i32
    return %c0_i32, %c0_i32_0, %c0_i32_1 : i32, i32, i32
  }
  func.func @transform_3(%arg0: i32) -> (i32, i32, i32) {
    %c0_i32 = arith.constant 0 : i32
    %c0_i32_0 = arith.constant 0 : i32
    %c0_i32_1 = arith.constant 0 : i32
    %c0_i32_2 = arith.constant 0 : i32
    return %c0_i32, %c0_i32_0, %c0_i32_1 : i32, i32, i32
  }
  func.func @transform_4(%arg0: i32) -> (i32, i32) {
    %c0_i32 = arith.constant 0 : i32
    %c0_i32_0 = arith.constant 0 : i32
    return %arg0, %c0_i32 : i32, i32
  }
}

</mosaic_0001>

<sc_bundles>
// kernel: kernel.4.cloned.1.call-start
scs
__scs_entry_jumppad:
0x0: {  	(pc) =	sbr.rel $0x88, $3  }
0x1: {  	(tag) =	ssettag $0x0;
	lr =	simm.s32 $0x1  }
0x2: {  	[smem:$0x3F97] =	sst lr;
	_ =	strace $0xD0000000  }
0x3: {  	_ = 	snop  }
0x4: {  	_ = 	snop  }
0x5: {  	_ = 	snop  }
0x6: {  	_ = 	snop  }
0x7: {  	_ = 	snop  }
__scs_overlays_trampoline_lowered:
0x8: {  	[smem:$0x3FA6] =	sst s0  }
0x9: {  	[smem:$0x3FA7] =	sst s1  }
0xa: {  	[smem:$0x3FA8] =	sst s2  }
0xb: {  	[smem:$0x3FA9] =	sst s3  }
0xc: {  	[smem:$0x3FAA] =	sst s4  }
0xd: {  	[smem:$0x3FAB] =	sst s5  }
0xe: {  	[smem:$0x3FAC] =	sst s6  }
0xf: {  	[smem:$0x3FAD] =	sst s7  }
0x10: {  	[smem:$0x3FAE] =	sst s8  }
0x11: {  	[smem:$0x3FAF] =	sst s9;
	s0 =	simm.s32 @!p0 $0x0  }
0x12: {  	s1 =	sld [smem:$0x3F95];
	s0 =	simm.s32 @p0 $0x1  }
0x13: {  	[smem:$0x3FB0] =	sst s0;
	s0 =	simm.s32 @!p1 $0x0  }
0x14: {  	s2 =	sld [smem:$0x3F94];
	s0 =	simm.s32 @p1 $0x1  }
0x15: {  	[smem:$0x3FB1] =	sst s0;
	s0 =	simm.s32 @!p2 $0x0  }
0x16: {  	s3 =	sld [smem:$0x3FDB];
	s0 =	simm.s32 @p2 $0x1  }
0x17: {  	s4 =	simm.s32 $0x1BF5;
	[smem:$0x3FB3] =	sst s0  }
0x18: {  	s0 =	sld [smem:$0x3F96];
	_ =	swait.ge [sflag:s4], $0x0  }
0x19: {  	s7 =	sld [smem:$0x3F97]  }
0x1a: {  	s8 =	sadd.s32 $0xFFFFE003, lr  }
0x1b: {  	s9 =	sadd.s32 $0xFFFFFEF7, lr;
	s5 =	simm.s32 $0xFFFFFFFF;
	p2 =	slt.u32 s8, $0xFFFFF086  }
0x1c: {  	p1 =	slt.u32 s9, $0xF7A;
	s5 =	simm.s32 @!p2 $0x0  }
0x1d: {  	s5 =	simm.s32 @p1 $0x1;
	p0 =	seq.s32 s7, s2  }
0x1e: {  	s7 =	smul.u32 @!p0 $0xF7A, s2;
	p2 =	seq.s32 @!p0 s5, $0x0  }
0x1f: {  	s9 =	smul.u32 $0xF7A, s1;
	s8 =	simm.s32 @!p0 $0x1BF5;
	p2 =	por !p2, p0  }
0x20: {  	[sflag:s8] =	ssyncset.s32 @!p0 $0xFFFFF086;
	s6 =	sadd.s32 @!p0 s3, s7;
	s7 =	simm.s32 @!p0 $0x108  }
0x21: {  	s3 =	sadd.s32 s3, s9;
	s6 =	sadd.s32 @!p0 $0x88, s6;
	s7 =	simm.s32 @p2 $0x1082  }
0x22: {  	[simem:s7], [sflag:s8] =	dma.local @!p0 [hbm:s6], $0xF7A  }
0x23: {  	s9 =	sor.u32 $0xD0000000, s2;
	s6 =	simm.s32 $0x108;
	_ =	swait.ge @!p0 [sflag:s8], $0x0  }
0x24: {  	s3 =	sadd.s32 $0x88, s3;
	s6 =	simm.s32 @!p1 $0x1082;
	[sflag:s4] =	ssyncset.s32 $0xFFFFF086  }
0x25: {  	[simem:s6], [sflag:s4] =	dma.local [hbm:s3], $0xF7A  }
0x26: {  	[smem:$0x3F97] =	sst s1;
	(tag) =	ssettag s2;
	_ =	strace s9  }
0x27: {  	s1 =	sld [smem:$0x3FA7]  }
0x28: {  	s2 =	sld [smem:$0x3FA8]  }
0x29: {  	s4 =	sld [smem:$0x3FAA]  }
0x2a: {  	p0 =	seq.s32 s5, $0x0;
	s5 =	sld [smem:$0x3FAB]  }
0x2b: {  	s6 =	sld [smem:$0x3FAC]  }
0x2c: {  	s7 =	sld [smem:$0x3FAD]  }
0x2d: {  	s3 =	simm.s32 $0x108;
	s8 =	sld [smem:$0x3FAE]  }
0x2e: {  	s3 =	simm.s32 @!p0 $0x1082;
	s9 =	sld [smem:$0x3FAF]  }
0x2f: {  	lr =	sadd.s32 s0, s3;
	s0 =	sld [smem:$0x3FA6]  }
0x30: {  	s3 =	sld [smem:$0x3FA9]  }
0x31: {  	[smem:$0x3FB2] =	sst s10  }
0x32: {  	s10 =	sld [smem:$0x3FB0];
	_ =	sdelay $0x3  }
0x33: {  	p0 =	seq.s32 s10, $0x1;
	s10 =	sld [smem:$0x3FB2];
	_ =	sdelay $0x3  }
0x34: {  	[smem:$0x3FB2] =	sst s10  }
0x35: {  	s10 =	sld [smem:$0x3FB1];
	_ =	sdelay $0x3  }
0x36: {  	p1 =	seq.s32 s10, $0x1;
	s10 =	sld [smem:$0x3FB2];
	_ =	sdelay $0x3  }
0x37: {  	[smem:$0x3FB2] =	sst s10  }
0x38: {  	s10 =	sld [smem:$0x3FB3]  }
0x39: {  	_ = 	snop;
	(pc) =	sbr.ind lr, $3  }
0x3a: {  	_ = 	snop  }
0x3b: {  	_ = 	snop  }
0x3c: {  	p2 =	seq.s32 s10, $0x1;
	s10 =	sld [smem:$0x3FB2]  }
0x3d: {  	_ =	shalt  }
0x3e: {  	_ =	shalt  }
0x3f: {  	_ =	shalt  }
0x40: {  	_ =	shalt  }
0x41: {  	_ =	shalt  }
0x42: {  	_ =	shalt  }
0x43: {  	_ =	shalt  }
0x44: {  	_ =	shalt  }
0x45: {  	_ =	shalt  }
0x46: {  	_ =	shalt  }
0x47: {  	_ =	shalt  }
0x48: {  	_ =	shalt  }
0x49: {  	_ =	shalt  }
0x4a: {  	_ =	shalt  }
0x4b: {  	_ =	shalt  }
0x4c: {  	_ =	shalt  }
0x4d: {  	_ =	shalt  }
0x4e: {  	_ =	shalt  }
0x4f: {  	_ =	shalt  }
0x50: {  	_ =	shalt  }
0x51: {  	_ =	shalt  }
0x52: {  	_ =	shalt  }
0x53: {  	_ =	shalt  }
0x54: {  	_ =	shalt  }
0x55: {  	_ =	shalt  }
0x56: {  	_ =	shalt  }
0x57: {  	_ =	shalt  }
0x58: {  	_ =	shalt  }
0x59: {  	_ =	shalt  }
0x5a: {  	_ =	shalt  }
0x5b: {  	_ =	shalt  }
0x5c: {  	_ =	shalt  }
0x5d: {  	_ =	shalt  }
0x5e: {  	_ =	shalt  }
0x5f: {  	_ =	shalt  }
0x60: {  	_ =	shalt  }
0x61: {  	_ =	shalt  }
0x62: {  	_ =	shalt  }
0x63: {  	_ =	shalt  }
0x64: {  	_ =	shalt  }
0x65: {  	_ =	shalt  }
0x66: {  	_ =	shalt  }
0x67: {  	_ =	shalt  }
0x68: {  	_ =	shalt  }
0x69: {  	_ =	shalt  }
0x6a: {  	_ =	shalt  }
0x6b: {  	_ =	shalt  }
0x6c: {  	_ =	shalt  }
0x6d: {  	_ =	shalt  }
0x6e: {  	_ =	shalt  }
0x6f: {  	_ =	shalt  }
0x70: {  	_ =	shalt  }
0x71: {  	_ =	shalt  }
0x72: {  	_ =	shalt  }
0x73: {  	_ =	shalt  }
0x74: {  	_ =	shalt  }
0x75: {  	_ =	shalt  }
0x76: {  	_ =	shalt  }
0x77: {  	_ =	shalt  }
0x78: {  	_ =	shalt  }
0x79: {  	_ =	shalt  }
0x7a: {  	_ =	shalt  }
0x7b: {  	_ =	shalt  }
0x7c: {  	_ =	shalt  }
0x7d: {  	_ =	shalt  }
0x7e: {  	_ =	shalt  }
0x7f: {  	_ =	shalt  }
0x80: {  	_ =	shalt  }
0x81: {  	_ =	shalt  }
0x82: {  	_ =	shalt  }
0x83: {  	_ =	shalt  }
0x84: {  	_ =	shalt  }
0x85: {  	_ =	shalt  }
0x86: {  	_ =	shalt  }
0x87: {  	_ =	shalt  }
.Lfunc_end0:
.L_simem_size_0:
called_computation_lowered:
.L_overlay_start_0:
0x88: {  	s2 =	sld [smem:$0x3FD9]  }
0x89: {  	s3 =	sld [smem:$0x3FFE];
	_ =	sdelay $0x1  }
0x8a: {  	s1 =	srdreg.scid  }
0x8b: {  	s0 =	sand.u32 $0x1, s1  }
0x8c: {  	s17 =	sshll.u32 s0, $0xA;
	s2 =	sadd.s32 s3, s2  }
0x8d: {  	s2 =	sadd.s32 s2, s17  }
0x8e: {  	[smem:$0x3FBE] =	sst s2  }
0x8f: {  	_ = 	snop  }
0x90: {  	s2 =	sld [smem:$0x3FC9]  }
0x91: {  	s18 =	sld [smem:$0x3FD0];
	(tm) =	ssettm $0x1  }
0x92: {  	s4 =	sld [smem:$0x3FFB];
	_ =	sdelay $0x3  }
0x93: {  	_ =	strace s4  }
0x94: {  	s4 =	sld [smem:$0x3FFC];
	_ =	sdelay $0x3  }
0x95: {  	_ =	strace s4  }
0x96: {  	s4 =	sld [smem:$0x3FFD];
	_ =	sdelay $0x3  }
0x97: {  	_ =	strace s4  }
0x98: {  	_ =	strace $0x8FFFFFFF  }
0x99: {  	s19 =	sld [smem:$0x3FDB];
	_ =	sdelay $0x1  }
0x9a: {  	s5 =	simm.s32 $_scs_section_size  }
0x9b: {  	s6 =	simm.s32 $_size__tile_overlayer_lowered;
	s7 =	simm.s32 $_tile_overlayer_lowered  }
0x9c: {  	s22 =	simm.s32 $0x1BFF;
	s21 =	sshll.u32 s7, $0x1;
	s4 =	sadd.s32 s5, s19  }
0x9d: {  	s8 =	simm.s32 $0x0;
	s20 =	sshll.u32 s6, $0x1;
	s6 =	sadd.s32 s21, s4  }
0x9e: {  	[timem:s8], [sflag:s22] =	dma.local [hbm:s6], s20  }
0x9f: {  	_ =	swait.ge [sflag:s22], s20  }
0xa0: {  	s5 =	ssub.s32 $0x0, s20;
	[sflag:s22] =	ssyncset.done $0x0  }
0xa1: {  	[sflag:s22] =	ssyncadd.s32 s5;
	_ =	sdelay $0x1  }
0xa2: {  	s23 =	simm.s32 $0x1B8B  }
0xa3: {  	_ =	swait.ge [sflag:s23], $0x1  }
0xa4: {  	[sflag:s23] =	ssyncset.done $0x0  }
0xa5: {  	s25 =	simm.s32 $0x1B8E;
	s24 =	sld [smem:$0x3FFE];
	[sflag:s23] =	ssyncadd.s32 $0xFFFFFFFF  }
0xa6: {  	s26 =	simm.s32 $execute0_lowered;
	[smem:$0x3FD2] =	sst s25  }
0xa7: {  	s6 =	sshll.u32 s26, $0x1;
	_ =	strace $0x80000046;
	[dreg:$0x1] =	wrdreg $0xFFFFFFFF  }
0xa8: {  	s28 =	simm.s32 $_size_execute0_lowered;
	s4 =	sadd.s32 s4, s6;
	[dreg:$0x0] =	wrdreg $0x0  }
0xa9: {  	s6 =	sshll.u32 s28, $0x1;
	[dreg:$0x2] =	wrdreg s4  }
0xaa: {  	[dreg:$0x3] =	wrdreg s6  }
0xab: {  	[dreg:$0x4] =	wrdreg $0xC0  }
0xac: {  	_ =	task [dreg:s8], $0x5FFFF  }
0xad: {  	[dreg:$0x1] =	wrdreg $0xFFFFFFFF  }
0xae: {  	[dreg:$0x0] =	wrdreg $0x60  }
0xaf: {  	[dreg:$0x2] =	wrdreg s2  }
0xb0: {  	[dreg:$0x3] =	wrdreg s24  }
0xb1: {  	[dreg:$0x4] =	wrdreg s18  }
0xb2: {  	[dreg:$0x5] =	wrdreg $0xAC800  }
0xb3: {  	[dreg:$0x6] =	wrdreg $0x1EC800  }
0xb4: {  	[dreg:$0x7] =	wrdreg $0x9  }
0xb5: {  	_ =	task.clear_ibuf [dreg:s8], $0x8FFFF;
	_ =	strace $0x90000046  }
0xb6: {  	s29 =	simm.s32 $0x9;
	_ =	strace $0x80000048  }
0xb7: {  	_ =	swait.ge [sflag:s29], $0x1  }
0xb8: {  	[sflag:s29] =	ssyncadd.s32 $0xFFFFFFFF  }
0xb9: {  	_ =	strace $0x90000048  }
0xba: {  	_ =	sfence  }
0xbb: {  	s30 =	sld [smem:$0x0];
	_ =	sdelay $0x2  }
0xbc: {  	s31 =	sshll.u32 s1, $0xD;
	s1 =	sshrl.u32 s1, $0x2  }
0xbd: {  	s3 =	sand.u32 $0x4000, s31;
	s1 =	sadd.s32 s1, s30  }
0xbe: {  	s0 =	sor.u32 s3, s0;
	s1 =	sshll.u32 s1, $0x11  }
0xbf: {  	s0 =	sor.u32 s1, s0  }
0xc0: {  	s0 =	sadd.s32 $0x8F2B, s0  }
0xc1: {  	[sflag:s0] =	ssyncadd.remote.s32 $0x1  }
0xc2: {  	_ =	sfence.sel $0xFFFF  }
0xc3: {  	[dreg:$0x0] =	wrdreg $0xFFFFFFFF;
	(pc) =	sbr.abs _section_cstart, $3  }
0xc4: {  	[dreg:$0x1] =	wrdreg $0xFFFFFFFF  }
0xc5: {  	_ =	task.clear_ibuf [dreg:s8], $0x2FFFF;
	_ =	strace $0x9FFFFFFF  }
0xc6: {  	(tm) =	ssettm $0x7FFFFFFF  }
0xc7: {  	_ =	shalt  }
tec
execute0_lowered:
.L_overlay_start_1:
0x0: {  	(tag) =	ssettag $0x1  }
0x1: {  	s1 =	rddreg [dreg:$0x0]  }
0x2: {  	s0 =	rddreg [dreg:$0x1]  }
0x3: {  	s6 =	rddreg [dreg:$0x2]  }
0x4: {  	s2 =	rddreg [dreg:$0x3]  }
0x5: {  	s3 =	rddreg [dreg:$0x4]  }
0x6: {  	s4 =	simm.s32 $0x0;
	s5 =	srdreg.scid;
	s8 =	stileid.u32  }
0x7: {  	s28 =	simm.s32 $0x5C00;
	s29 =	simm.s32 $0x3;
	s30 =	simm.s32 $0x8400  }
0x8: {  	s31 =	simm.s32 $0x5;
	[smem:$0x7FF] =	sst s4;
	s7 =	sand.u32 $0x1, s5  }
0x9: {  	s5 =	sadd.s32 $0xF000, s0;
	s11 =	sadd.s32 $0x13600, s0;
	s23 =	smul.u32 $0x280, s8  }
0xa: {  	s14 =	sadd.s32 $0x11800, s0;
	s15 =	smul.u32 $0x50000, s8;
	s21 =	sshll.u32 s8, $0x6  }
0xb: {  	p0 =	sne.s32 s8, $0x0;
	_ =	strace $0x80000047;
	s9 =	sshll.u32 s7, $0x4  }
0xc: {  	s10 =	ssub.s32 $0x2, s7;
	s25 =	smul.u32 $0x2800, s7;
	s26 =	sor.u32 $0x2, s7  }
0xd: {  	s20 =	sor.u32 $0x4, s7;
	s7 =	smul.u32 $0x500, s7;
	[dreg:$0x9] =	wrdreg s21  }
0xe: {  	s9 =	sor.u32 s8, s9;
	s12 =	sshrl.u32 s10, $0x1;
	s19 =	smul.u32 $0x2800, s26  }
0xf: {  	s15 =	sshrl.u32 s15, $0x2;
	s8 =	simm.s32 $0x4;
	s13 =	smul.u32 $0x280, s9  }
0x10: {  	s10 =	ssub.s32 s10, s12;
	s24 =	sshll.u32 s9, $0xA;
	s16 =	sor.u32 $0x20, s9  }
0x11: {  	s9 =	sor.u32 $0x40, s9;
	s15 =	sadd.s32 s15, s2;
	s12 =	sor.u32 $0x1C03, s21  }
0x12: {  	s7 =	sadd.s32 s14, s7;
	s17 =	smul.u32 $0x280, s16;
	[dreg:$0x8] =	wrdreg s15  }
0x13: {  	s18 =	smul.u32 $0x280, s9;
	s19 =	sadd.s32 s23, s19;
	[dreg:$0xd] =	wrdreg s7  }
0x14: {  	s22 =	sshll.u32 s16, $0xA;
	s21 =	smax.u32 s10, $0x1;
	s13 =	sadd.s32 s0, s13  }
0x15: {  	s10 =	simm.s32 $0x0;
	s7 =	sadd.s32 s6, s22;
	[dreg:$0x6] =	wrdreg s13  }
0x16: {  	s13 =	sadd.s32 s6, s24;
	s17 =	sadd.s32 s0, s17;
	[dreg:$0xe] =	wrdreg s7  }
0x17: {  	s0 =	sadd.s32 s0, s18;
	s18 =	smul.u32 $0x2800, s20;
	[dreg:$0x7] =	wrdreg s13  }
0x18: {  	s22 =	simm.s32 $0x1400;
	s24 =	smul.u32 $0x500, s26;
	[dreg:$0xa] =	wrdreg s17  }
0x19: {  	s26 =	smul.u32 $0x500, s20;
	[dreg:$0xb] =	wrdreg s0;
	s13 =	sadd.s32 s23, s25  }
0x1a: {  	s25 =	sshll.u32 s9, $0xA;
	s0 =	sadd.s32 s23, s18;
	s13 =	sshll.u32 s13, $0x4  }
0x1b: {  	s23 =	sshll.u32 s19, $0x4;
	s18 =	sadd.s32 s6, s25;
	s20 =	sadd.s32 s14, s26  }
0x1c: {  	s25 =	simm.s32 $0x3400;
	s26 =	simm.s32 $0x2;
	s13 =	sadd.s32 s11, s13  }
0x1d: {  	s6 =	simm.s32 $0x3380;
	s7 =	sadd.s32 s11, s23;
	[dreg:$0xc] =	wrdreg s13  }
0x1e: {  	v0 =	vlaneseq.u32;
	s0 =	sshll.u32 s0, $0x4;
	s23 =	simm.s32 $0x1;
	[dreg:$0xf] =	wrdreg s7  }
0x1f: {  	v5 =	vimm.f32 $0.0e+00;
	v6 =	vimm.f32 $1.000000000e+00;
	v1 =	vor.u32 $0x10, v0;
	s13 =	sadd.s32 s14, s24;
	s19 =	sadd.s32 s11, s0;
	s24 =	simm.s32 $0x50  }
0x20: {  	v2 =	vor.u32 $0x20, v0;
	v3 =	vor.u32 $0x30, v0;
	v4 =	vor.u32 $0x40, v0;
	s0 =	simm.s32 $0x3300;
	s7 =	simm.s32 $0xAC00;
	[dreg:$0x10] =	wrdreg s13  }
.LBB2_1:
0x21: {  	[tilespmem:$0xAC00] =	vst v0  }
0x22: {  	[tilespmem:$0xAC10] =	vst v1  }
0x23: {  	[tilespmem:$0xAC20] =	vst v2;
	s9 =	rddreg [dreg:$0x6]  }
0x24: {  	[tilespmem:$0xAC30] =	vst v3;
	s16 =	rddreg [dreg:$0x7]  }
0x25: {  	[tilespmem:$0xAC40] =	vst v4;
	s17 =	rddreg [dreg:$0x8]  }
0x26: {  	[tilespmem:s4], [sflag:$0x1] =	stream.linear.gather [hbm4b:s9+s4], $0x1400, $0x38;
	[tilespmem:$0x1EF00] =	vst v63  }
0x27: {  	s13 =	sshrl.u32 @!p0 s3, $0x3;
	s11 =	sshrl.u32 s17, $0x3;
	s9 =	simm.s32 @!p0 $0x1C05  }
0x28: {  	[tilespmem:s22], [sflag:$0x2] =	stream.linear.gather [hbm4b:s16+s4], $0x2000, $0x38;
	[tilespmem:$0x1EF00] =	vst v63  }
0x29: {  	[spmem:s11], [sflag:s12] =	dma.local [hbm:s5], $0x2800  }
0x2a: {  	[spmem:s13], [sflag:s9] =	dma.local @!p0 [hbm:s5], $0x500  }
0x2b: {  	s9 =	simm.s32 @!p0 $0x5  }
0x2c: {  	_ =	swait.ge @!p0 [sflag:s9], $0x500  }
0x2d: {  	[sflag:s9] =	ssyncset.done @!p0 $0x0  }
0x2e: {  	s14 =	simm.s32 $0x200;
	[sflag:s9] =	ssyncadd.s32 @!p0 $0xFFFFFB00;
	s9 =	simm.s32 $0x0  }
.LBB2_2:
0x2f: {  	p1 =	sne.s32 s14, $0x9E00;
	[tilespmem:s9+$0x8470] =	vst v5  }
0x30: {  	[tilespmem:s9+$0x8400] =	vst v5  }
0x31: {  	[tilespmem:s9+$0x8410] =	vst v5  }
.Ltmp0:
0x32: {  	[tilespmem:s9+$0x8420] =	vst v5;
	(pc) =	sbr.rel @p1 .LBB2_2-.Ltmp0, $4  }
0x33: {  	[tilespmem:s9+$0x8430] =	vst v5  }
0x34: {  	[tilespmem:s9+$0x8440] =	vst v5  }
0x35: {  	[tilespmem:s9+$0x8450] =	vst v5  }
0x36: {  	[tilespmem:s9+$0x8460] =	vst v5;
	s9 =	sshra.s32 s14, $0x2;
	s14 =	sadd.s32 $0x200, s14  }
0x37: {  	[tilespmem:s9+$0x8470] =	vst v5  }
0x38: {  	[tilespmem:s9+$0x8400] =	vst v5  }
0x39: {  	[tilespmem:s9+$0x8410] =	vst v5  }
0x3a: {  	[tilespmem:s9+$0x8420] =	vst v5  }
0x3b: {  	[tilespmem:s9+$0x8430] =	vst v5  }
0x3c: {  	[tilespmem:s9+$0x8440] =	vst v5  }
0x3d: {  	[tilespmem:s9+$0x8450] =	vst v5  }
0x3e: {  	[tilespmem:s9+$0x8460] =	vst v5  }
0x3f: {  	_ =	swait.ge [sflag:s23], $0x1400  }
0x40: {  	[sflag:s23] =	ssyncset.done $0x0  }
0x41: {  	[sflag:s23] =	ssyncadd.s32 $0xFFFFEC00  }
0x42: {  	[tilespmem:s25], [sflag:$0x1] =	stream.indirect.gather [hbm4b:s1+s24], $0x80, s4, s24, $0xb8;
	[tilespmem:$0x1EF00] =	vst v63  }
0x43: {  	_ =	swait.ge [sflag:s26], $0x2000  }
0x44: {  	[sflag:s26] =	ssyncset.done $0x0  }
0x45: {  	[sflag:s26] =	ssyncadd.s32 $0xFFFFE000  }
0x46: {  	[tilespmem:s28], [sflag:$0x2] =	stream.indirect.gather [hbm4b:s1+s24], $0x80, s24, s24, $0xb8;
	[tilespmem:$0x1EF00] =	vst v63  }
0x47: {  	_ =	swait.ge [sflag:s29], $0x2800  }
0x48: {  	[sflag:s29] =	ssyncset.done $0x0  }
0x49: {  	[sflag:s29] =	ssyncadd.s32 $0xFFFFD800  }
0x4a: {  	s14 =	simm.s32 $0xFFFFB280;
	s15 =	simm.s32 $0x1480;
	[bflag:$0x0] =	sbarrier.arrive $0xFFFF  }
.LBB2_4:
0x4b: {  	v7 =	vld [tilespmem:s15+$0xFFFFFF80];
	_ =	sdelay $0x7  }
0x4c: {  	[tilespmem:v7+s30+$0x0] =	vst.idx.add.f32.msk $0xffff, v6  }
0x4d: {  	v7 =	vld [tilespmem:s15+$0xFFFFFF90];
	_ =	sdelay $0x7  }
0x4e: {  	[tilespmem:v7+s30+$0x0] =	vst.idx.add.f32.msk $0xffff, v6  }
0x4f: {  	v7 =	vld [tilespmem:s15+$0xFFFFFFA0];
	_ =	sdelay $0x7  }
0x50: {  	[tilespmem:v7+s30+$0x0] =	vst.idx.add.f32.msk $0xffff, v6  }
0x51: {  	v7 =	vld [tilespmem:s15+$0xFFFFFFB0];
	_ =	sdelay $0x7  }
0x52: {  	[tilespmem:v7+s30+$0x0] =	vst.idx.add.f32.msk $0xffff, v6  }
0x53: {  	v7 =	vld [tilespmem:s15+$0xFFFFFFC0];
	_ =	sdelay $0x7  }
0x54: {  	[tilespmem:v7+s30+$0x0] =	vst.idx.add.f32.msk $0xffff, v6  }
0x55: {  	_ =	swait.ge [sflag:s23], $0x2800  }
0x56: {  	[sflag:s23] =	ssyncset.done $0x0  }
0x57: {  	s9 =	sadd.s32 $0xFFFFFF80, s15;
	[sflag:s23] =	ssyncadd.s32 $0xFFFFD800  }
0x58: {  	[spmem:s2] =	stream.indirect.scatter.add.f32 [tilespmem:s25], [sflag:$0x5], $0x80, s9, s24, $0xb8;
	[tilespmem:$0x1EF00] =	vst v63  }
0x59: {  	_ =	swait.ge [sflag:s31], $0x2800  }
0x5a: {  	s17 =	sshra.s32 s14, $0x2;
	[sflag:s31] =	ssyncset.done $0x0  }
0x5b: {  	s16 =	sadd.s32 $0x1400, s17;
	[sflag:s31] =	ssyncadd.s32 $0xFFFFD800  }
0x5c: {  	[tilespmem:s25], [sflag:$0x1] =	stream.indirect.gather [hbm4b:s1+s24], $0x80, s16, s24, $0xb8;
	[tilespmem:$0x1EF00] =	vst v63  }
0x5d: {  	v7 =	vld [tilespmem:s15+$0x0];
	_ =	sdelay $0x7  }
0x5e: {  	[tilespmem:v7+s30+$0x0] =	vst.idx.add.f32.msk $0xffff, v6  }
0x5f: {  	v7 =	vld [tilespmem:s15+$0x10];
	_ =	sdelay $0x7  }
0x60: {  	[tilespmem:v7+s30+$0x0] =	vst.idx.add.f32.msk $0xffff, v6  }
0x61: {  	v7 =	vld [tilespmem:s15+$0x20];
	_ =	sdelay $0x7  }
0x62: {  	[tilespmem:v7+s30+$0x0] =	vst.idx.add.f32.msk $0xffff, v6  }
0x63: {  	v7 =	vld [tilespmem:s15+$0x30];
	_ =	sdelay $0x7  }
0x64: {  	[tilespmem:v7+s30+$0x0] =	vst.idx.add.f32.msk $0xffff, v6  }
0x65: {  	v7 =	vld [tilespmem:s15+$0x40];
	_ =	sdelay $0x7  }
0x66: {  	[tilespmem:v7+s30+$0x0] =	vst.idx.add.f32.msk $0xffff, v6  }
0x67: {  	_ =	swait.ge [sflag:s26], $0x2800  }
0x68: {  	[sflag:s26] =	ssyncset.done $0x0  }
0x69: {  	p1 =	sne.s32 s14, $0xFFFFFD80;
	[sflag:s26] =	ssyncadd.s32 $0xFFFFD800  }
0x6a: {  	[spmem:s2] =	stream.indirect.scatter.add.f32 [tilespmem:s28], [sflag:$0x5], $0x80, s15, s24, $0xb8;
	[tilespmem:$0x1EF00] =	vst v63  }
.Ltmp1:
0x6b: {  	_ = 	snop;
	(pc) =	sbr.rel @p1 .LBB2_4-.Ltmp1, $4  }
0x6c: {  	_ =	swait.ge [sflag:s31], $0x2800  }
0x6d: {  	s14 =	sadd.s32 $0x280, s14;
	[sflag:s31] =	ssyncset.done $0x0  }
0x6e: {  	s9 =	sadd.s32 $0x1450, s17;
	s15 =	sadd.s32 $0x100, s15;
	[sflag:s31] =	ssyncadd.s32 $0xFFFFD800  }
0x6f: {  	[tilespmem:s28], [sflag:$0x2] =	stream.indirect.gather [hbm4b:s1+s24], $0x80, s9, s24, $0xb8;
	[tilespmem:$0x1EF00] =	vst v63  }
0x70: {  	v7 =	vld [tilespmem:$0x3300];
	_ =	sdelay $0x7  }
0x71: {  	[tilespmem:v7+s30+$0x0] =	vst.idx.add.f32.msk $0xffff, v6  }
0x72: {  	v7 =	vld [tilespmem:$0x3310];
	_ =	sdelay $0x7  }
0x73: {  	[tilespmem:v7+s30+$0x0] =	vst.idx.add.f32.msk $0xffff, v6  }
0x74: {  	v7 =	vld [tilespmem:$0x3320];
	_ =	sdelay $0x7  }
0x75: {  	[tilespmem:v7+s30+$0x0] =	vst.idx.add.f32.msk $0xffff, v6  }
0x76: {  	v7 =	vld [tilespmem:$0x3330];
	_ =	sdelay $0x7  }
0x77: {  	[tilespmem:v7+s30+$0x0] =	vst.idx.add.f32.msk $0xffff, v6  }
0x78: {  	v7 =	vld [tilespmem:$0x3340];
	_ =	sdelay $0x7  }
0x79: {  	[tilespmem:v7+s30+$0x0] =	vst.idx.add.f32.msk $0xffff, v6  }
0x7a: {  	_ =	swait.ge [sflag:s23], $0x2800  }
0x7b: {  	[sflag:s23] =	ssyncset.done $0x0  }
0x7c: {  	[sflag:s23] =	ssyncadd.s32 $0xFFFFD800  }
0x7d: {  	[spmem:s2] =	stream.indirect.scatter.add.f32 [tilespmem:s25], [sflag:$0x5], $0x80, s0, s24, $0xb8;
	[tilespmem:$0x1EF00] =	vst v63  }
0x7e: {  	_ =	swait.ge [sflag:s31], $0x2800  }
0x7f: {  	[sflag:s31] =	ssyncset.done $0x0  }
0x80: {  	[sflag:s31] =	ssyncadd.s32 $0xFFFFD800  }
0x81: {  	v7 =	vld [tilespmem:$0x3380];
	_ =	sdelay $0x7  }
0x82: {  	[tilespmem:v7+s30+$0x0] =	vst.idx.add.f32.msk $0xffff, v6  }
0x83: {  	v7 =	vld [tilespmem:$0x3390];
	_ =	sdelay $0x7  }
0x84: {  	[tilespmem:v7+s30+$0x0] =	vst.idx.add.f32.msk $0xffff, v6  }
0x85: {  	v7 =	vld [tilespmem:$0x33A0];
	_ =	sdelay $0x7  }
0x86: {  	[tilespmem:v7+s30+$0x0] =	vst.idx.add.f32.msk $0xffff, v6  }
0x87: {  	v7 =	vld [tilespmem:$0x33B0];
	_ =	sdelay $0x7  }
0x88: {  	[tilespmem:v7+s30+$0x0] =	vst.idx.add.f32.msk $0xffff, v6  }
0x89: {  	v7 =	vld [tilespmem:$0x33C0];
	_ =	sdelay $0x7  }
0x8a: {  	[tilespmem:v7+s30+$0x0] =	vst.idx.add.f32.msk $0xffff, v6  }
0x8b: {  	_ =	swait.ge [sflag:s26], $0x2800  }
0x8c: {  	[sflag:s26] =	ssyncset.done $0x0  }
0x8d: {  	[sflag:s26] =	ssyncadd.s32 $0xFFFFD800  }
0x8e: {  	[spmem:s2] =	stream.indirect.scatter.add.f32 [tilespmem:s28], [sflag:$0x5], $0x80, s6, s24, $0xb8;
	[tilespmem:$0x1EF00] =	vst v63  }
0x8f: {  	_ =	swait.ge [sflag:s31], $0x2800  }
0x90: {  	[sflag:s31] =	ssyncset.done $0x0  }
0x91: {  	[sflag:s31] =	ssyncadd.s32 $0xFFFFD800  }
0x92: {  	[spmem:s3] =	stream.indirect.scatter.add.f32 [tilespmem:s30], [sflag:$0x5], $0x80, s7, s24, $0xb8;
	[tilespmem:$0x1EF00] =	vst v63  }
0x93: {  	_ =	swait.ge [sflag:s31], $0x2800  }
0x94: {  	[sflag:s31] =	ssyncset.done $0x0  }
0x95: {  	[sflag:s31] =	ssyncadd.s32 $0xFFFFD800  }
0x96: {  	[bflag:$0x0] =	sbarrier.arrive $0xFFFF  }
0x97: {  	s9 =	rddreg [dreg:$0x9]  }
0x98: {  	s16 =	rddreg [dreg:$0xc];
	s14 =	sor.u32 $0x1C04, s9  }
0x99: {  	[hbm:s16], [sflag:s14] =	dma.local [spmem:s11], $0x2800  }
0x9a: {  	s9 =	simm.s32 @!p0 $0x1C05;
	s15 =	rddreg [dreg:$0xd]  }
0x9b: {  	[hbm:s15], [sflag:s9] =	dma.local @!p0 [spmem:s13], $0x500  }
0x9c: {  	s15 =	simm.s32 @!p0 $0x5  }
0x9d: {  	_ =	swait.ge @!p0 [sflag:s15], $0x500  }
0x9e: {  	[sflag:s15] =	ssyncset.done @!p0 $0x0  }
0x9f: {  	s16 =	rddreg [dreg:$0xa];
	[sflag:s15] =	ssyncadd.s32 @!p0 $0xFFFFFB00  }
0xa0: {  	[tilespmem:s4], [sflag:$0x1] =	stream.linear.gather [hbm4b:s16+s4], $0x1400, $0x38;
	[tilespmem:$0x1EF00] =	vst v63  }
0xa1: {  	s17 =	rddreg [dreg:$0xe]  }
0xa2: {  	[tilespmem:s22], [sflag:$0x2] =	stream.linear.gather [hbm4b:s17+s4], $0x2000, $0x38;
	[tilespmem:$0x1EF00] =	vst v63  }
0xa3: {  	_ =	swait.ge [sflag:s8], $0x2800  }
0xa4: {  	[sflag:s8] =	ssyncset.done $0x0  }
0xa5: {  	[sflag:s8] =	ssyncadd.s32 $0xFFFFD800  }
0xa6: {  	[spmem:s11], [sflag:s12] =	dma.local [hbm:s5], $0x2800  }
0xa7: {  	[spmem:s13], [sflag:s9] =	dma.local @!p0 [hbm:s5], $0x500  }
0xa8: {  	_ =	swait.ge @!p0 [sflag:s15], $0x500  }
0xa9: {  	[sflag:s15] =	ssyncset.done @!p0 $0x0  }
0xaa: {  	s9 =	simm.s32 $0x0;
	[sflag:s15] =	ssyncadd.s32 @!p0 $0xFFFFFB00;
	s15 =	simm.s32 $0x200  }
.LBB2_6:
0xab: {  	p1 =	sne.s32 s15, $0x9E00;
	[tilespmem:s9+$0x8470] =	vst v5  }
0xac: {  	[tilespmem:s9+$0x8400] =	vst v5  }
0xad: {  	[tilespmem:s9+$0x8410] =	vst v5  }
.Ltmp2:
0xae: {  	[tilespmem:s9+$0x8420] =	vst v5;
	(pc) =	sbr.rel @p1 .LBB2_6-.Ltmp2, $4  }
0xaf: {  	[tilespmem:s9+$0x8430] =	vst v5  }
0xb0: {  	[tilespmem:s9+$0x8440] =	vst v5  }
0xb1: {  	[tilespmem:s9+$0x8450] =	vst v5  }
0xb2: {  	[tilespmem:s9+$0x8460] =	vst v5;
	s9 =	sshra.s32 s15, $0x2;
	s15 =	sadd.s32 $0x200, s15  }
0xb3: {  	[tilespmem:s9+$0x8470] =	vst v5  }
0xb4: {  	[tilespmem:s9+$0x8400] =	vst v5  }
0xb5: {  	[tilespmem:s9+$0x8410] =	vst v5  }
0xb6: {  	[tilespmem:s9+$0x8420] =	vst v5  }
0xb7: {  	[tilespmem:s9+$0x8430] =	vst v5  }
0xb8: {  	[tilespmem:s9+$0x8440] =	vst v5  }
0xb9: {  	[tilespmem:s9+$0x8450] =	vst v5  }
0xba: {  	[tilespmem:s9+$0x8460] =	vst v5  }
0xbb: {  	_ =	swait.ge [sflag:s23], $0x1400  }
0xbc: {  	[sflag:s23] =	ssyncset.done $0x0  }
0xbd: {  	[sflag:s23] =	ssyncadd.s32 $0xFFFFEC00  }
0xbe: {  	[tilespmem:s25], [sflag:$0x1] =	stream.indirect.gather [hbm4b:s1+s24], $0x80, s4, s24, $0xb8;
	[tilespmem:$0x1EF00] =	vst v63  }
0xbf: {  	_ =	swait.ge [sflag:s26], $0x2000  }
0xc0: {  	[sflag:s26] =	ssyncset.done $0x0  }
0xc1: {  	[sflag:s26] =	ssyncadd.s32 $0xFFFFE000  }
0xc2: {  	[tilespmem:s28], [sflag:$0x2] =	stream.indirect.gather [hbm4b:s1+s24], $0x80, s24, s24, $0xb8;
	[tilespmem:$0x1EF00] =	vst v63  }
0xc3: {  	_ =	swait.ge [sflag:s29], $0x2800  }
0xc4: {  	[sflag:s29] =	ssyncset.done $0x0  }
0xc5: {  	[sflag:s29] =	ssyncadd.s32 $0xFFFFD800  }
0xc6: {  	s15 =	simm.s32 $0xFFFFB280;
	s9 =	simm.s32 $0x1480;
	[bflag:$0x0] =	sbarrier.arrive $0xFFFF  }
.LBB2_8:
0xc7: {  	v7 =	vld [tilespmem:s9+$0xFFFFFF80];
	_ =	sdelay $0x7  }
0xc8: {  	[tilespmem:v7+s30+$0x0] =	vst.idx.add.f32.msk $0xffff, v6  }
0xc9: {  	v7 =	vld [tilespmem:s9+$0xFFFFFF90];
	_ =	sdelay $0x7  }
0xca: {  	[tilespmem:v7+s30+$0x0] =	vst.idx.add.f32.msk $0xffff, v6  }
0xcb: {  	v7 =	vld [tilespmem:s9+$0xFFFFFFA0];
	_ =	sdelay $0x7  }
0xcc: {  	[tilespmem:v7+s30+$0x0] =	vst.idx.add.f32.msk $0xffff, v6  }
0xcd: {  	v7 =	vld [tilespmem:s9+$0xFFFFFFB0];
	_ =	sdelay $0x7  }
0xce: {  	[tilespmem:v7+s30+$0x0] =	vst.idx.add.f32.msk $0xffff, v6  }
0xcf: {  	v7 =	vld [tilespmem:s9+$0xFFFFFFC0];
	_ =	sdelay $0x7  }
0xd0: {  	[tilespmem:v7+s30+$0x0] =	vst.idx.add.f32.msk $0xffff, v6  }
0xd1: {  	_ =	swait.ge [sflag:s23], $0x2800  }
0xd2: {  	[sflag:s23] =	ssyncset.done $0x0  }
0xd3: {  	s16 =	sadd.s32 $0xFFFFFF80, s9;
	[sflag:s23] =	ssyncadd.s32 $0xFFFFD800  }
0xd4: {  	[spmem:s2] =	stream.indirect.scatter.add.f32 [tilespmem:s25], [sflag:$0x5], $0x80, s16, s24, $0xb8;
	[tilespmem:$0x1EF00] =	vst v63  }
0xd5: {  	_ =	swait.ge [sflag:s31], $0x2800  }
0xd6: {  	s16 =	sshra.s32 s15, $0x2;
	[sflag:s31] =	ssyncset.done $0x0  }
0xd7: {  	s17 =	sadd.s32 $0x1400, s16;
	[sflag:s31] =	ssyncadd.s32 $0xFFFFD800  }
0xd8: {  	[tilespmem:s25], [sflag:$0x1] =	stream.indirect.gather [hbm4b:s1+s24], $0x80, s17, s24, $0xb8;
	[tilespmem:$0x1EF00] =	vst v63  }
0xd9: {  	v7 =	vld [tilespmem:s9+$0x0];
	_ =	sdelay $0x7  }
0xda: {  	[tilespmem:v7+s30+$0x0] =	vst.idx.add.f32.msk $0xffff, v6  }
0xdb: {  	v7 =	vld [tilespmem:s9+$0x10];
	_ =	sdelay $0x7  }
0xdc: {  	[tilespmem:v7+s30+$0x0] =	vst.idx.add.f32.msk $0xffff, v6  }
0xdd: {  	v7 =	vld [tilespmem:s9+$0x20];
	_ =	sdelay $0x7  }
0xde: {  	[tilespmem:v7+s30+$0x0] =	vst.idx.add.f32.msk $0xffff, v6  }
0xdf: {  	v7 =	vld [tilespmem:s9+$0x30];
	_ =	sdelay $0x7  }
0xe0: {  	[tilespmem:v7+s30+$0x0] =	vst.idx.add.f32.msk $0xffff, v6  }
0xe1: {  	v7 =	vld [tilespmem:s9+$0x40];
	_ =	sdelay $0x7  }
0xe2: {  	[tilespmem:v7+s30+$0x0] =	vst.idx.add.f32.msk $0xffff, v6  }
0xe3: {  	_ =	swait.ge [sflag:s26], $0x2800  }
0xe4: {  	[sflag:s26] =	ssyncset.done $0x0  }
0xe5: {  	p1 =	sne.s32 s15, $0xFFFFFD80;
	[sflag:s26] =	ssyncadd.s32 $0xFFFFD800  }
0xe6: {  	[spmem:s2] =	stream.indirect.scatter.add.f32 [tilespmem:s28], [sflag:$0x5], $0x80, s9, s24, $0xb8;
	[tilespmem:$0x1EF00] =	vst v63  }
.Ltmp3:
0xe7: {  	_ = 	snop;
	(pc) =	sbr.rel @p1 .LBB2_8-.Ltmp3, $4  }
0xe8: {  	_ =	swait.ge [sflag:s31], $0x2800  }
0xe9: {  	s15 =	sadd.s32 $0x280, s15;
	[sflag:s31] =	ssyncset.done $0x0  }
0xea: {  	s16 =	sadd.s32 $0x1450, s16;
	s9 =	sadd.s32 $0x100, s9;
	[sflag:s31] =	ssyncadd.s32 $0xFFFFD800  }
0xeb: {  	[tilespmem:s28], [sflag:$0x2] =	stream.indirect.gather [hbm4b:s1+s24], $0x80, s16, s24, $0xb8;
	[tilespmem:$0x1EF00] =	vst v63  }
0xec: {  	v7 =	vld [tilespmem:$0x3300];
	_ =	sdelay $0x7  }
0xed: {  	[tilespmem:v7+s30+$0x0] =	vst.idx.add.f32.msk $0xffff, v6  }
0xee: {  	v7 =	vld [tilespmem:$0x3310];
	_ =	sdelay $0x7  }
0xef: {  	[tilespmem:v7+s30+$0x0] =	vst.idx.add.f32.msk $0xffff, v6  }
0xf0: {  	v7 =	vld [tilespmem:$0x3320];
	_ =	sdelay $0x7  }
0xf1: {  	[tilespmem:v7+s30+$0x0] =	vst.idx.add.f32.msk $0xffff, v6  }
0xf2: {  	v7 =	vld [tilespmem:$0x3330];
	_ =	sdelay $0x7  }
0xf3: {  	[tilespmem:v7+s30+$0x0] =	vst.idx.add.f32.msk $0xffff, v6  }
0xf4: {  	v7 =	vld [tilespmem:$0x3340];
	_ =	sdelay $0x7  }
0xf5: {  	[tilespmem:v7+s30+$0x0] =	vst.idx.add.f32.msk $0xffff, v6  }
0xf6: {  	_ =	swait.ge [sflag:s23], $0x2800  }
0xf7: {  	[sflag:s23] =	ssyncset.done $0x0  }
0xf8: {  	[sflag:s23] =	ssyncadd.s32 $0xFFFFD800  }
0xf9: {  	[spmem:s2] =	stream.indirect.scatter.add.f32 [tilespmem:s25], [sflag:$0x5], $0x80, s0, s24, $0xb8;
	[tilespmem:$0x1EF00] =	vst v63  }
0xfa: {  	_ =	swait.ge [sflag:s31], $0x2800  }
0xfb: {  	[sflag:s31] =	ssyncset.done $0x0  }
0xfc: {  	[sflag:s31] =	ssyncadd.s32 $0xFFFFD800  }
0xfd: {  	v7 =	vld [tilespmem:$0x3380];
	_ =	sdelay $0x7  }
0xfe: {  	[tilespmem:v7+s30+$0x0] =	vst.idx.add.f32.msk $0xffff, v6  }
0xff: {  	v7 =	vld [tilespmem:$0x3390];
	_ =	sdelay $0x7  }
0x100: {  	[tilespmem:v7+s30+$0x0] =	vst.idx.add.f32.msk $0xffff, v6  }
0x101: {  	v7 =	vld [tilespmem:$0x33A0];
	_ =	sdelay $0x7  }
0x102: {  	[tilespmem:v7+s30+$0x0] =	vst.idx.add.f32.msk $0xffff, v6  }
0x103: {  	v7 =	vld [tilespmem:$0x33B0];
	_ =	sdelay $0x7  }
0x104: {  	[tilespmem:v7+s30+$0x0] =	vst.idx.add.f32.msk $0xffff, v6  }
0x105: {  	v7 =	vld [tilespmem:$0x33C0];
	_ =	sdelay $0x7  }
0x106: {  	[tilespmem:v7+s30+$0x0] =	vst.idx.add.f32.msk $0xffff, v6  }
0x107: {  	_ =	swait.ge [sflag:s26], $0x2800  }
0x108: {  	[sflag:s26] =	ssyncset.done $0x0  }
0x109: {  	[sflag:s26] =	ssyncadd.s32 $0xFFFFD800  }
0x10a: {  	[spmem:s2] =	stream.indirect.scatter.add.f32 [tilespmem:s28], [sflag:$0x5], $0x80, s6, s24, $0xb8;
	[tilespmem:$0x1EF00] =	vst v63  }
0x10b: {  	_ =	swait.ge [sflag:s31], $0x2800  }
0x10c: {  	[sflag:s31] =	ssyncset.done $0x0  }
0x10d: {  	[sflag:s31] =	ssyncadd.s32 $0xFFFFD800  }
0x10e: {  	[spmem:s3] =	stream.indirect.scatter.add.f32 [tilespmem:s30], [sflag:$0x5], $0x80, s7, s24, $0xb8;
	[tilespmem:$0x1EF00] =	vst v63  }
0x10f: {  	_ =	swait.ge [sflag:s31], $0x2800  }
0x110: {  	[sflag:s31] =	ssyncset.done $0x0  }
0x111: {  	[sflag:s31] =	ssyncadd.s32 $0xFFFFD800  }
0x112: {  	[bflag:$0x0] =	sbarrier.arrive $0xFFFF  }
0x113: {  	s9 =	rddreg [dreg:$0xf]  }
0x114: {  	[hbm:s9], [sflag:s14] =	dma.local [spmem:s11], $0x2800  }
0x115: {  	s9 =	simm.s32 @!p0 $0x1C05;
	s15 =	rddreg [dreg:$0x10]  }
0x116: {  	[hbm:s15], [sflag:s9] =	dma.local @!p0 [spmem:s13], $0x500  }
0x117: {  	s15 =	simm.s32 @!p0 $0x5  }
0x118: {  	_ =	swait.ge @!p0 [sflag:s15], $0x500  }
0x119: {  	[sflag:s15] =	ssyncset.done @!p0 $0x0  }
0x11a: {  	s16 =	rddreg [dreg:$0xb];
	[sflag:s15] =	ssyncadd.s32 @!p0 $0xFFFFFB00  }
0x11b: {  	[tilespmem:s4], [sflag:$0x1] =	stream.linear.gather [hbm4b:s16+s4], $0x1400, $0x38;
	[tilespmem:$0x1EF00] =	vst v63  }
0x11c: {  	_ = 	snop  }
0x11d: {  	[tilespmem:s22], [sflag:$0x2] =	stream.linear.gather [hbm4b:s18+s4], $0x2000, $0x38;
	[tilespmem:$0x1EF00] =	vst v63  }
0x11e: {  	_ =	swait.ge [sflag:s8], $0x2800  }
0x11f: {  	[sflag:s8] =	ssyncset.done $0x0  }
0x120: {  	[sflag:s8] =	ssyncadd.s32 $0xFFFFD800  }
0x121: {  	[spmem:s11], [sflag:s12] =	dma.local [hbm:s5], $0x2800  }
0x122: {  	[spmem:s13], [sflag:s9] =	dma.local @!p0 [hbm:s5], $0x500  }
0x123: {  	_ =	swait.ge @!p0 [sflag:s15], $0x500  }
0x124: {  	[sflag:s15] =	ssyncset.done @!p0 $0x0  }
0x125: {  	s9 =	simm.s32 $0x0;
	[sflag:s15] =	ssyncadd.s32 @!p0 $0xFFFFFB00;
	s15 =	simm.s32 $0x200  }
.LBB2_10:
0x126: {  	p1 =	sne.s32 s15, $0x9E00;
	[tilespmem:s9+$0x8470] =	vst v5  }
0x127: {  	[tilespmem:s9+$0x8400] =	vst v5  }
0x128: {  	[tilespmem:s9+$0x8410] =	vst v5  }
.Ltmp4:
0x129: {  	[tilespmem:s9+$0x8420] =	vst v5;
	(pc) =	sbr.rel @p1 .LBB2_10-.Ltmp4, $4  }
0x12a: {  	[tilespmem:s9+$0x8430] =	vst v5  }
0x12b: {  	[tilespmem:s9+$0x8440] =	vst v5  }
0x12c: {  	[tilespmem:s9+$0x8450] =	vst v5  }
0x12d: {  	[tilespmem:s9+$0x8460] =	vst v5;
	s9 =	sshra.s32 s15, $0x2;
	s15 =	sadd.s32 $0x200, s15  }
0x12e: {  	[tilespmem:s9+$0x8470] =	vst v5  }
0x12f: {  	[tilespmem:s9+$0x8400] =	vst v5  }
0x130: {  	[tilespmem:s9+$0x8410] =	vst v5  }
0x131: {  	[tilespmem:s9+$0x8420] =	vst v5  }
0x132: {  	[tilespmem:s9+$0x8430] =	vst v5  }
0x133: {  	[tilespmem:s9+$0x8440] =	vst v5  }
0x134: {  	[tilespmem:s9+$0x8450] =	vst v5  }
0x135: {  	[tilespmem:s9+$0x8460] =	vst v5  }
0x136: {  	_ =	swait.ge [sflag:s23], $0x1400  }
0x137: {  	[sflag:s23] =	ssyncset.done $0x0  }
0x138: {  	[sflag:s23] =	ssyncadd.s32 $0xFFFFEC00  }
0x139: {  	[tilespmem:s25], [sflag:$0x1] =	stream.indirect.gather [hbm4b:s1+s24], $0x80, s4, s24, $0xb8;
	[tilespmem:$0x1EF00] =	vst v63  }
0x13a: {  	_ =	swait.ge [sflag:s26], $0x2000  }
0x13b: {  	[sflag:s26] =	ssyncset.done $0x0  }
0x13c: {  	[sflag:s26] =	ssyncadd.s32 $0xFFFFE000  }
0x13d: {  	[tilespmem:s28], [sflag:$0x2] =	stream.indirect.gather [hbm4b:s1+s24], $0x80, s24, s24, $0xb8;
	[tilespmem:$0x1EF00] =	vst v63  }
0x13e: {  	_ =	swait.ge [sflag:s29], $0x2800  }
0x13f: {  	[sflag:s29] =	ssyncset.done $0x0  }
0x140: {  	[sflag:s29] =	ssyncadd.s32 $0xFFFFD800  }
0x141: {  	s15 =	simm.s32 $0xFFFFB280;
	s9 =	simm.s32 $0x1480;
	[bflag:$0x0] =	sbarrier.arrive $0xFFFF  }
.LBB2_12:
0x142: {  	v7 =	vld [tilespmem:s9+$0xFFFFFF80];
	_ =	sdelay $0x7  }
0x143: {  	[tilespmem:v7+s30+$0x0] =	vst.idx.add.f32.msk $0xffff, v6  }
0x144: {  	v7 =	vld [tilespmem:s9+$0xFFFFFF90];
	_ =	sdelay $0x7  }
0x145: {  	[tilespmem:v7+s30+$0x0] =	vst.idx.add.f32.msk $0xffff, v6  }
0x146: {  	v7 =	vld [tilespmem:s9+$0xFFFFFFA0];
	_ =	sdelay $0x7  }
0x147: {  	[tilespmem:v7+s30+$0x0] =	vst.idx.add.f32.msk $0xffff, v6  }
0x148: {  	v7 =	vld [tilespmem:s9+$0xFFFFFFB0];
	_ =	sdelay $0x7  }
0x149: {  	[tilespmem:v7+s30+$0x0] =	vst.idx.add.f32.msk $0xffff, v6  }
0x14a: {  	v7 =	vld [tilespmem:s9+$0xFFFFFFC0];
	_ =	sdelay $0x7  }
0x14b: {  	[tilespmem:v7+s30+$0x0] =	vst.idx.add.f32.msk $0xffff, v6  }
0x14c: {  	_ =	swait.ge [sflag:s23], $0x2800  }
0x14d: {  	[sflag:s23] =	ssyncset.done $0x0  }
0x14e: {  	s16 =	sadd.s32 $0xFFFFFF80, s9;
	[sflag:s23] =	ssyncadd.s32 $0xFFFFD800  }
0x14f: {  	[spmem:s2] =	stream.indirect.scatter.add.f32 [tilespmem:s25], [sflag:$0x5], $0x80, s16, s24, $0xb8;
	[tilespmem:$0x1EF00] =	vst v63  }
0x150: {  	_ =	swait.ge [sflag:s31], $0x2800  }
0x151: {  	s16 =	sshra.s32 s15, $0x2;
	[sflag:s31] =	ssyncset.done $0x0  }
0x152: {  	s17 =	sadd.s32 $0x1400, s16;
	[sflag:s31] =	ssyncadd.s32 $0xFFFFD800  }
0x153: {  	[tilespmem:s25], [sflag:$0x1] =	stream.indirect.gather [hbm4b:s1+s24], $0x80, s17, s24, $0xb8;
	[tilespmem:$0x1EF00] =	vst v63  }
0x154: {  	v7 =	vld [tilespmem:s9+$0x0];
	_ =	sdelay $0x7  }
0x155: {  	[tilespmem:v7+s30+$0x0] =	vst.idx.add.f32.msk $0xffff, v6  }
0x156: {  	v7 =	vld [tilespmem:s9+$0x10];
	_ =	sdelay $0x7  }
0x157: {  	[tilespmem:v7+s30+$0x0] =	vst.idx.add.f32.msk $0xffff, v6  }
0x158: {  	v7 =	vld [tilespmem:s9+$0x20];
	_ =	sdelay $0x7  }
0x159: {  	[tilespmem:v7+s30+$0x0] =	vst.idx.add.f32.msk $0xffff, v6  }
0x15a: {  	v7 =	vld [tilespmem:s9+$0x30];
	_ =	sdelay $0x7  }
0x15b: {  	[tilespmem:v7+s30+$0x0] =	vst.idx.add.f32.msk $0xffff, v6  }
0x15c: {  	v7 =	vld [tilespmem:s9+$0x40];
	_ =	sdelay $0x7  }
0x15d: {  	[tilespmem:v7+s30+$0x0] =	vst.idx.add.f32.msk $0xffff, v6  }
0x15e: {  	_ =	swait.ge [sflag:s26], $0x2800  }
0x15f: {  	[sflag:s26] =	ssyncset.done $0x0  }
0x160: {  	p1 =	sne.s32 s15, $0xFFFFFD80;
	[sflag:s26] =	ssyncadd.s32 $0xFFFFD800  }
0x161: {  	[spmem:s2] =	stream.indirect.scatter.add.f32 [tilespmem:s28], [sflag:$0x5], $0x80, s9, s24, $0xb8;
	[tilespmem:$0x1EF00] =	vst v63  }
.Ltmp5:
0x162: {  	_ = 	snop;
	(pc) =	sbr.rel @p1 .LBB2_12-.Ltmp5, $4  }
0x163: {  	_ =	swait.ge [sflag:s31], $0x2800  }
0x164: {  	s15 =	sadd.s32 $0x280, s15;
	[sflag:s31] =	ssyncset.done $0x0  }
0x165: {  	s16 =	sadd.s32 $0x1450, s16;
	s9 =	sadd.s32 $0x100, s9;
	[sflag:s31] =	ssyncadd.s32 $0xFFFFD800  }
0x166: {  	[tilespmem:s28], [sflag:$0x2] =	stream.indirect.gather [hbm4b:s1+s24], $0x80, s16, s24, $0xb8;
	[tilespmem:$0x1EF00] =	vst v63  }
0x167: {  	v7 =	vld [tilespmem:$0x3300];
	_ =	sdelay $0x7  }
0x168: {  	[tilespmem:v7+s30+$0x0] =	vst.idx.add.f32.msk $0xffff, v6  }
0x169: {  	v7 =	vld [tilespmem:$0x3310];
	_ =	sdelay $0x7  }
0x16a: {  	[tilespmem:v7+s30+$0x0] =	vst.idx.add.f32.msk $0xffff, v6  }
0x16b: {  	v7 =	vld [tilespmem:$0x3320];
	_ =	sdelay $0x7  }
0x16c: {  	[tilespmem:v7+s30+$0x0] =	vst.idx.add.f32.msk $0xffff, v6  }
0x16d: {  	v7 =	vld [tilespmem:$0x3330];
	_ =	sdelay $0x7  }
0x16e: {  	[tilespmem:v7+s30+$0x0] =	vst.idx.add.f32.msk $0xffff, v6  }
0x16f: {  	v7 =	vld [tilespmem:$0x3340];
	_ =	sdelay $0x7  }
0x170: {  	[tilespmem:v7+s30+$0x0] =	vst.idx.add.f32.msk $0xffff, v6  }
0x171: {  	_ =	swait.ge [sflag:s23], $0x2800  }
0x172: {  	[sflag:s23] =	ssyncset.done $0x0  }
0x173: {  	[sflag:s23] =	ssyncadd.s32 $0xFFFFD800  }
0x174: {  	[spmem:s2] =	stream.indirect.scatter.add.f32 [tilespmem:s25], [sflag:$0x5], $0x80, s0, s24, $0xb8;
	[tilespmem:$0x1EF00] =	vst v63  }
0x175: {  	_ =	swait.ge [sflag:s31], $0x2800  }
0x176: {  	[sflag:s31] =	ssyncset.done $0x0  }
0x177: {  	[sflag:s31] =	ssyncadd.s32 $0xFFFFD800  }
0x178: {  	v7 =	vld [tilespmem:$0x3380];
	_ =	sdelay $0x7  }
0x179: {  	[tilespmem:v7+s30+$0x0] =	vst.idx.add.f32.msk $0xffff, v6  }
0x17a: {  	v7 =	vld [tilespmem:$0x3390];
	_ =	sdelay $0x7  }
0x17b: {  	[tilespmem:v7+s30+$0x0] =	vst.idx.add.f32.msk $0xffff, v6  }
0x17c: {  	v7 =	vld [tilespmem:$0x33A0];
	_ =	sdelay $0x7  }
0x17d: {  	[tilespmem:v7+s30+$0x0] =	vst.idx.add.f32.msk $0xffff, v6  }
0x17e: {  	v7 =	vld [tilespmem:$0x33B0];
	_ =	sdelay $0x7  }
0x17f: {  	[tilespmem:v7+s30+$0x0] =	vst.idx.add.f32.msk $0xffff, v6  }
0x180: {  	v7 =	vld [tilespmem:$0x33C0];
	_ =	sdelay $0x7  }
0x181: {  	[tilespmem:v7+s30+$0x0] =	vst.idx.add.f32.msk $0xffff, v6  }
0x182: {  	_ =	swait.ge [sflag:s26], $0x2800  }
0x183: {  	[sflag:s26] =	ssyncset.done $0x0  }
0x184: {  	[sflag:s26] =	ssyncadd.s32 $0xFFFFD800  }
0x185: {  	[spmem:s2] =	stream.indirect.scatter.add.f32 [tilespmem:s28], [sflag:$0x5], $0x80, s6, s24, $0xb8;
	[tilespmem:$0x1EF00] =	vst v63  }
0x186: {  	_ =	swait.ge [sflag:s31], $0x2800  }
0x187: {  	[sflag:s31] =	ssyncset.done $0x0  }
0x188: {  	[sflag:s31] =	ssyncadd.s32 $0xFFFFD800  }
0x189: {  	[spmem:s3] =	stream.indirect.scatter.add.f32 [tilespmem:s30], [sflag:$0x5], $0x80, s7, s24, $0xb8;
	[tilespmem:$0x1EF00] =	vst v63  }
0x18a: {  	_ =	swait.ge [sflag:s31], $0x2800  }
0x18b: {  	[sflag:s31] =	ssyncset.done $0x0  }
0x18c: {  	[sflag:s31] =	ssyncadd.s32 $0xFFFFD800  }
0x18d: {  	s9 =	simm.s32 @!p0 $0x1C05;
	[bflag:$0x0] =	sbarrier.arrive $0xFFFF  }
0x18e: {  	[hbm:s19], [sflag:s14] =	dma.local [spmem:s11], $0x2800  }
0x18f: {  	[hbm:s20], [sflag:s9] =	dma.local @!p0 [spmem:s13], $0x500  }
0x190: {  	s10 =	sadd.s32 $0x1, s10;
	s9 =	simm.s32 @!p0 $0x5  }
0x191: {  	p1 =	sne.s32 s10, s21;
	_ =	swait.ge @!p0 [sflag:s9], $0x500  }
.Ltmp6:
0x192: {  	[sflag:s9] =	ssyncset.done @!p0 $0x0;
	(pc) =	sbr.rel @p1 .LBB2_1-.Ltmp6, $4  }
0x193: {  	[sflag:s9] =	ssyncadd.s32 @!p0 $0xFFFFFB00  }
0x194: {  	_ =	swait.ge [sflag:s8], $0x2800  }
0x195: {  	[sflag:s8] =	ssyncset.done $0x0  }
0x196: {  	[sflag:s8] =	ssyncadd.s32 $0xFFFFD800  }
0x197: {  	_ =	sfence.sel $0x180000  }
0x198: {  	[bflag:$0x0] =	sbarrier.arrive $0xFFFF  }
0x199: {  	_ =	strace $0x90000047  }
0x19a: {  	[bflag:$0x2] =	sbarrier.arrive $0xFFFF  }
0x19b: {  	s0 =	rddreg [dreg:$0x5]  }
0x19c: {  	s0 =	sadd.s32 @!p0 $0x100000, s0  }
0x19d: {  	[sflag:s0] =	ssyncadd.tile.s32 @!p0 $0x1;
	_ =	shalt  }
.Lfunc_end2:
_tile_overlayer_lowered:
.L_overlay_start_2:
0x19e: {  	(tag) =	ssettag $0x2  }
0x19f: {  	s0 =	rddreg [dreg:$0x0];
	s2 =	stileid.u32  }
0x1a0: {  	s1 =	rddreg [dreg:$0x1];
	p0 =	sne.s32 s2, $0x0  }
0x1a1: {  	s3 =	rddreg [dreg:$0x2];
	[bflag:$0x3] =	sbarrier.arrive $0xFFFF;
	s2 =	simm.s32 @!p0 $0x1C05  }
0x1a2: {  	[timem:s3], [sflag:s2] =	dma.local @!p0 [hbm:s0], s1  }
0x1a3: {  	s0 =	simm.s32 @!p0 $0x5  }
0x1a4: {  	_ =	swait.ge @!p0 [sflag:s0], s1  }
0x1a5: {  	s1 =	ssub.s32 @!p0 $0x0, s1;
	[sflag:s0] =	ssyncset.done @!p0 $0x0  }
0x1a6: {  	[sflag:s0] =	ssyncadd.s32 @!p0 s1  }
0x1a7: {  	[bflag:$0x3] =	sbarrier.arrive $0xFFFF  }
0x1a8: {  	_ =	shalt  }

</sc_bundles>
